<compile_context>
chip_gen: v7x
topology: tpu7x:2x2x1
jax: 0.10.2.dev20260603
libtpu: 0.0.44.dev20260713+nightly
codegen_flags: <defaults>
</compile_context>

<pallas_src>
import functools

import jax
import jax.numpy as jnp
from jax import lax
from jax.experimental import pallas as pl
from jax.experimental.pallas import tpu as pltpu
from jax.experimental.pallas import tpu_sc as plsc

V = 4096
D = 4096
N = 16 * 2048
NC, NS, L = 2, 16, 16
NW = NC * NS
TPW = N // NW
C = 8
NBUF = 3
NCH = TPW // C
RB = 256
IDX_CHUNK = 128


def _lse_block(x_ref, o_ref):
    i = pl.program_id(0)
    x = x_ref[...]
    m = jnp.max(x, axis=1, keepdims=True)
    s = jnp.sum(jnp.exp(x - m), axis=1)
    o_ref[0, pl.ds(i * RB, RB)] = m[:, 0] + jnp.log(s)


def _finalize_block(p_ref, o_ref):
    o_ref[...] = jnp.sum(p_ref[...]).reshape(1, 1) * (1.0 / N)


_MESH = plsc.VectorSubcoreMesh(core_axis_name="c", subcore_axis_name="s")


@functools.partial(
    pl.kernel,
    out_type=[
        jax.ShapeDtypeStruct((N, D), jnp.float32),
        jax.ShapeDtypeStruct((NW, L), jnp.float32),
    ],
    mesh=_MESH,
    scratch_types=[
        pltpu.VMEM((TPW,), jnp.int32),
        pltpu.VMEM((TPW,), jnp.int32),
        pltpu.VMEM((TPW,), jnp.int32),
        pltpu.VMEM((TPW,), jnp.float32),
        pltpu.VMEM((TPW,), jnp.float32),
        pltpu.VMEM((NBUF, C, D), jnp.float32),
        pltpu.VMEM((L,), jnp.float32),
        pltpu.SemaphoreType.DMA,
        pltpu.SemaphoreType.DMA,
        pltpu.SemaphoreType.DMA,
        pltpu.SemaphoreType.DMA,
        pltpu.SemaphoreType.DMA,
        pltpu.SemaphoreType.DMA,
        pltpu.SemaphoreType.DMA,
    ],
)
def _sc_gather_loss(table, tflat, idxf, tgtf, lse, out, parts,
                    idx_v, tgt_v, flat_v, tval_v, lse_tok_v, bufs, pstage,
                    sem_t, gsem0, gsem1, gsem2, psem0, psem1, psem2):
    gsems = (gsem0, gsem1, gsem2)
    psems = (psem0, psem1, psem2)
    wid = lax.axis_index("s") * NC + lax.axis_index("c")
    base = wid * TPW
    cp_i = pltpu.async_copy(idxf.at[pl.ds(base, TPW)], idx_v, sem_t)
    cp_t = pltpu.async_copy(tgtf.at[pl.ds(base, TPW)], tgt_v, sem_t)
    cp_i.wait()
    cp_t.wait()

    def g_start(ch, b):
        pltpu.async_copy(table.at[idx_v.at[pl.ds(ch * C, C)]],
                         bufs.at[b], gsems[b])

    def g_wait(b):
        pltpu.make_async_copy(table.at[pl.ds(0, C)], bufs.at[b],
                              gsems[b]).wait()

    def p_start(ch, b):
        pltpu.async_copy(bufs.at[b], out.at[pl.ds(base + ch * C, C)],
                         psems[b])

    def p_wait(b):
        pltpu.make_async_copy(bufs.at[b], out.at[pl.ds(base, C)],
                              psems[b]).wait()

    for b in range(NBUF):
        g_start(b, b)

    def fbody(g, carry):
        i16 = idx_v[pl.ds(g * L, L)]
        t16 = tgt_v[pl.ds(g * L, L)]
        flat_v[pl.ds(g * L, L)] = i16 * D + t16
        return carry

    lax.fori_loop(0, TPW // L, fbody, 0)

    tcopies = [
        pltpu.async_copy(
            tflat.at[flat_v.at[pl.ds(j * IDX_CHUNK, IDX_CHUNK)]],
            tval_v.at[pl.ds(j * IDX_CHUNK, IDX_CHUNK)],
            sem_t,
        )
        for j in range(TPW // IDX_CHUNK)
    ] + [
        pltpu.async_copy(
            lse.at[idx_v.at[pl.ds(j * IDX_CHUNK, IDX_CHUNK)]],
            lse_tok_v.at[pl.ds(j * IDX_CHUNK, IDX_CHUNK)],
            sem_t,
        )
        for j in range(TPW // IDX_CHUNK)
    ]
    for cp in tcopies:
        cp.wait()

    def lbody(g, acc):
        l16 = lse_tok_v[pl.ds(g * L, L)]
        return acc + (l16 - tval_v[pl.ds(g * L, L)])

    acc = lax.fori_loop(0, TPW // L, lbody, jnp.zeros((L,), jnp.float32))
    pstage[...] = acc
    pltpu.sync_copy(pstage, parts.at[wid])

    def ring(g0, carry):
        for b in range(NBUF):
            ch = g0 * NBUF + b
            g_wait(b)
            p_start(ch, b)

            @pl.when(ch + NBUF < NCH)
            def _():
                p_wait(b)
                g_start(ch + NBUF, b)

        return carry

    lax.fori_loop(0, NCH // NBUF, ring, 0)
    for ch in range(NCH - NCH % NBUF, NCH):
        g_wait(ch % NBUF)
        p_start(ch, ch % NBUF)
    for b in range(NBUF):
        p_wait(b)


def kernel(idx, targets, token_embedding_table):
    table = token_embedding_table
    idxf = idx.reshape(N).astype(jnp.int32)
    tgtf = targets.reshape(N).astype(jnp.int32)

    lse2 = pl.pallas_call(
        _lse_block,
        grid=(V // RB,),
        in_specs=[pl.BlockSpec((RB, D), lambda i: (i, 0))],
        out_specs=pl.BlockSpec((1, V), lambda i: (0, 0)),
        out_shape=jax.ShapeDtypeStruct((1, V), jnp.float32),
    )(table)
    lse = lse2.reshape(V)

    logits, parts = _sc_gather_loss(table, table.reshape(V * D), idxf, tgtf,
                                    lse)

    loss2 = pl.pallas_call(
        _finalize_block,
        out_shape=jax.ShapeDtypeStruct((1, 1), jnp.float32),
    )(parts)
    return logits, loss2.reshape(())

# --- scband reference (transcript-rebuilt; emitter-appended) ---
"""Pipeline reference for scband-transformer-42056319762448 (READ-ONLY COPY).

The authoritative reference and input builder live on the scoring server;
editing this copy changes nothing except your own understanding.
"""

import jax, jax.numpy as jnp
import numpy as np

VOCAB = 4096
B = 16
T = 2048


def setup_inputs(seed: int = 0) -> dict:
    key = jax.random.key(seed)
    k1, k2, k3 = jax.random.split(key, 3)
    idx = jax.random.randint(k1, (B, T), 0, VOCAB)
    targets = jax.random.randint(k2, (B, T), 0, VOCAB)
    # nn.Embedding(vocab_size, vocab_size) weight, default N(0,1) init scaled down
    token_embedding_table = jax.random.normal(k3, (VOCAB, VOCAB), dtype=jnp.float32) * 0.02
    return {"idx": idx, "targets": targets, "token_embedding_table": token_embedding_table}


def reference(idx, targets, token_embedding_table):
    # logits = self.token_embedding_table(idx)
    logits = jnp.take(token_embedding_table, idx, axis=0)  # [B, T, C]
    Bc, Tc, C = logits.shape
    logits = logits.reshape(Bc * Tc, C)
    # NOTE: the original torch code has `targets = logits.view(B*T)` which is a
    # bug (it would raise unless C == 1); the evident intent (Karpathy bigram LM)
    # is `targets = targets.view(B*T)`, which we implement faithfully here.
    tgt = targets.reshape(Bc * Tc)
    # F.cross_entropy with mean reduction
    logp = jax.nn.log_softmax(logits, axis=-1)
    nll = -jnp.take_along_axis(logp, tgt[:, None], axis=1)[:, 0]
    loss = jnp.mean(nll)
    return (logits, loss)

if __name__ == "__main__":
    import jax
    _d = setup_inputs()
    print(jax.jit(kernel)(*tuple(_d.values())))

</pallas_src>

<mosaic_0001>
#map = affine_map<(d0, d1) -> (0, 0)>
#map1 = affine_map<(d0, d1) -> (0)>
module attributes {stable_mosaic.version = 14 : i64} {
  func.func @_sc_gather_loss(%arg0: i32, %arg1: i32, %arg2: memref<4096x4096xf32, #tpu.memory_space<hbm>>, %arg3: memref<16777216xf32, #tpu.memory_space<hbm>>, %arg4: memref<32768xi32, #tpu.memory_space<hbm>>, %arg5: memref<32768xi32, #tpu.memory_space<hbm>>, %arg6: memref<4096xf32, #tpu.memory_space<hbm>>, %arg7: memref<32768x4096xf32, #tpu.memory_space<hbm>>, %arg8: memref<32x16xf32, #tpu.memory_space<hbm>>, %arg9: memref<1024xi32, #tpu.memory_space<vmem>>, %arg10: memref<1024xi32, #tpu.memory_space<vmem>>, %arg11: memref<1024xi32, #tpu.memory_space<vmem>>, %arg12: memref<1024xf32, #tpu.memory_space<vmem>>, %arg13: memref<1024xf32, #tpu.memory_space<vmem>>, %arg14: memref<3x8x4096xf32, #tpu.memory_space<vmem>>, %arg15: memref<16xf32, #tpu.memory_space<vmem>>, %arg16: memref<!tpu.dma_semaphore, #tpu.memory_space<semaphore_mem>>, %arg17: memref<!tpu.dma_semaphore, #tpu.memory_space<semaphore_mem>>, %arg18: memref<!tpu.dma_semaphore, #tpu.memory_space<semaphore_mem>>, %arg19: memref<!tpu.dma_semaphore, #tpu.memory_space<semaphore_mem>>, %arg20: memref<!tpu.dma_semaphore, #tpu.memory_space<semaphore_mem>>, %arg21: memref<!tpu.dma_semaphore, #tpu.memory_space<semaphore_mem>>, %arg22: memref<!tpu.dma_semaphore, #tpu.memory_space<semaphore_mem>>) attributes {dimension_semantics = [#tpu.dimension_semantics<core_parallel>, #tpu.dimension_semantics<subcore_parallel>], iteration_bounds = array<i64: 2, 16>, scalar_prefetch = 0 : i64, scratch_operands = 14 : i64, tpu.core_type = #tpu.core_type<sc_vector_subcore>, window_params = [{transform_indices = #map}, {transform_indices = #map1}, {transform_indices = #map1}, {transform_indices = #map1}, {transform_indices = #map1}, {transform_indices = #map}, {transform_indices = #map}]} {
    %mul3A = arith.constant 2 : i32
    %mul3A_0 = arith.muli %arg1, %mul3A : i32
    %add3A = arith.addi %mul3A_0, %arg0 : i32
    %mul3A_1 = arith.constant 1024 : i32
    %mul3A_2 = arith.muli %add3A, %mul3A_1 : i32
    %dma_start3A = tpu.memref_slice %arg4[%mul3A_2] : memref<32768xi32, #tpu.memory_space<hbm>> -> memref<1024xi32, #tpu.memory_space<hbm>>
    %dma_start3A_3 = tpu.memref_slice %arg4[%mul3A_2] : memref<32768xi32, #tpu.memory_space<hbm>> -> memref<1024xi32, #tpu.memory_space<hbm>>
    tpu.enqueue_dma source(%dma_start3A_3 : memref<1024xi32, #tpu.memory_space<hbm>>) target(%arg9 : memref<1024xi32, #tpu.memory_space<vmem>>) target_semaphore(%arg16 : memref<!tpu.dma_semaphore, #tpu.memory_space<semaphore_mem>>)
    %dma_start3A_4 = tpu.memref_slice %arg5[%mul3A_2] : memref<32768xi32, #tpu.memory_space<hbm>> -> memref<1024xi32, #tpu.memory_space<hbm>>
    %dma_start3A_5 = tpu.memref_slice %arg5[%mul3A_2] : memref<32768xi32, #tpu.memory_space<hbm>> -> memref<1024xi32, #tpu.memory_space<hbm>>
    tpu.enqueue_dma source(%dma_start3A_5 : memref<1024xi32, #tpu.memory_space<hbm>>) target(%arg10 : memref<1024xi32, #tpu.memory_space<vmem>>) target_semaphore(%arg16 : memref<!tpu.dma_semaphore, #tpu.memory_space<semaphore_mem>>)
    %dma_wait3A = tpu.memref_slice %arg4[%mul3A_2] : memref<32768xi32, #tpu.memory_space<hbm>> -> memref<1024xi32, #tpu.memory_space<hbm>>
    %dma_wait3A_6 = tpu.memref_slice %arg4[%mul3A_2] : memref<32768xi32, #tpu.memory_space<hbm>> -> memref<1024xi32, #tpu.memory_space<hbm>>
    tpu.wait_dma2 semaphore(%arg16 : memref<!tpu.dma_semaphore, #tpu.memory_space<semaphore_mem>>) src(%dma_wait3A_6 : memref<1024xi32, #tpu.memory_space<hbm>>) dst(%arg9 : memref<1024xi32, #tpu.memory_space<vmem>>)
    %dma_wait3A_7 = tpu.memref_slice %arg5[%mul3A_2] : memref<32768xi32, #tpu.memory_space<hbm>> -> memref<1024xi32, #tpu.memory_space<hbm>>
    %dma_wait3A_8 = tpu.memref_slice %arg5[%mul3A_2] : memref<32768xi32, #tpu.memory_space<hbm>> -> memref<1024xi32, #tpu.memory_space<hbm>>
    tpu.wait_dma2 semaphore(%arg16 : memref<!tpu.dma_semaphore, #tpu.memory_space<semaphore_mem>>) src(%dma_wait3A_8 : memref<1024xi32, #tpu.memory_space<hbm>>) dst(%arg10 : memref<1024xi32, #tpu.memory_space<vmem>>)
    %dma_start3A_9 = arith.constant 0 : i32
    %dma_start3A_10 = arith.constant 0 : i32
    %dma_start3A_11 = arith.constant 0 : i32
    %dma_start3A_12 = tpu.memref_slice %arg14[%dma_start3A_9, %dma_start3A_10, %dma_start3A_11] : memref<3x8x4096xf32, #tpu.memory_space<vmem>> -> memref<1x8x4096xf32, #tpu.memory_space<vmem>>
    %dma_start3A_13 = tpu.memref_squeeze %dma_start3A_12 : memref<1x8x4096xf32, #tpu.memory_space<vmem>> -> memref<8x4096xf32, #tpu.memory_space<vmem>>
    %dma_start3A_14 = arith.constant 0 : i32
    %dma_start3A_15 = tpu.memref_slice %arg9[%dma_start3A_14] : memref<1024xi32, #tpu.memory_space<vmem>> -> memref<8xi32, #tpu.memory_space<vmem>>
    %dma_start3A_16 = arith.constant 0 : i32
    %dma_start3A_17 = arith.constant 0 : i32
    %dma_start3A_18 = tpu.memref_slice %arg2[%dma_start3A_16, %dma_start3A_17] : memref<4096x4096xf32, #tpu.memory_space<hbm>> -> memref<4096x4096xf32, #tpu.memory_space<hbm>>
    tpu.enqueue_indirect_dma source(%dma_start3A_18 : memref<4096x4096xf32, #tpu.memory_space<hbm>>) target(%dma_start3A_13 : memref<8x4096xf32, #tpu.memory_space<vmem>>) offsets(%dma_start3A_15 : memref<8xi32, #tpu.memory_space<vmem>>) semaphore(%arg17 : memref<!tpu.dma_semaphore, #tpu.memory_space<semaphore_mem>>)
    %dma_start3A_19 = arith.constant 1 : i32
    %dma_start3A_20 = arith.constant 0 : i32
    %dma_start3A_21 = arith.constant 0 : i32
    %dma_start3A_22 = tpu.memref_slice %arg14[%dma_start3A_19, %dma_start3A_20, %dma_start3A_21] : memref<3x8x4096xf32, #tpu.memory_space<vmem>> -> memref<1x8x4096xf32, #tpu.memory_space<vmem>>
    %dma_start3A_23 = tpu.memref_squeeze %dma_start3A_22 : memref<1x8x4096xf32, #tpu.memory_space<vmem>> -> memref<8x4096xf32, #tpu.memory_space<vmem>>
    %dma_start3A_24 = arith.constant 8 : i32
    %dma_start3A_25 = tpu.memref_slice %arg9[%dma_start3A_24] : memref<1024xi32, #tpu.memory_space<vmem>> -> memref<8xi32, #tpu.memory_space<vmem>>
    %dma_start3A_26 = arith.constant 0 : i32
    %dma_start3A_27 = arith.constant 0 : i32
    %dma_start3A_28 = tpu.memref_slice %arg2[%dma_start3A_26, %dma_start3A_27] : memref<4096x4096xf32, #tpu.memory_space<hbm>> -> memref<4096x4096xf32, #tpu.memory_space<hbm>>
    tpu.enqueue_indirect_dma source(%dma_start3A_28 : memref<4096x4096xf32, #tpu.memory_space<hbm>>) target(%dma_start3A_23 : memref<8x4096xf32, #tpu.memory_space<vmem>>) offsets(%dma_start3A_25 : memref<8xi32, #tpu.memory_space<vmem>>) semaphore(%arg18 : memref<!tpu.dma_semaphore, #tpu.memory_space<semaphore_mem>>)
    %dma_start3A_29 = arith.constant 2 : i32
    %dma_start3A_30 = arith.constant 0 : i32
    %dma_start3A_31 = arith.constant 0 : i32
    %dma_start3A_32 = tpu.memref_slice %arg14[%dma_start3A_29, %dma_start3A_30, %dma_start3A_31] : memref<3x8x4096xf32, #tpu.memory_space<vmem>> -> memref<1x8x4096xf32, #tpu.memory_space<vmem>>
    %dma_start3A_33 = tpu.memref_squeeze %dma_start3A_32 : memref<1x8x4096xf32, #tpu.memory_space<vmem>> -> memref<8x4096xf32, #tpu.memory_space<vmem>>
    %dma_start3A_34 = arith.constant 16 : i32
    %dma_start3A_35 = tpu.memref_slice %arg9[%dma_start3A_34] : memref<1024xi32, #tpu.memory_space<vmem>> -> memref<8xi32, #tpu.memory_space<vmem>>
    %dma_start3A_36 = arith.constant 0 : i32
    %dma_start3A_37 = arith.constant 0 : i32
    %dma_start3A_38 = tpu.memref_slice %arg2[%dma_start3A_36, %dma_start3A_37] : memref<4096x4096xf32, #tpu.memory_space<hbm>> -> memref<4096x4096xf32, #tpu.memory_space<hbm>>
    tpu.enqueue_indirect_dma source(%dma_start3A_38 : memref<4096x4096xf32, #tpu.memory_space<hbm>>) target(%dma_start3A_33 : memref<8x4096xf32, #tpu.memory_space<vmem>>) offsets(%dma_start3A_35 : memref<8xi32, #tpu.memory_space<vmem>>) semaphore(%arg19 : memref<!tpu.dma_semaphore, #tpu.memory_space<semaphore_mem>>)
    %scan3A = arith.constant 0 : i32
    %scan3A_39 = arith.constant 0 : i32
    %scan3A_40 = arith.constant 64 : i32
    %scan3A_41 = arith.addi %scan3A_39, %scan3A_40 : i32
    %scan3A_42 = arith.constant 1 : i32
    scf.for %scan3A_351 = %scan3A_39 to %scan3A_41 step %scan3A_42  : i32 {
      %mul3A_352 = arith.constant 16 : i32
      %mul3A_353 = arith.muli %scan3A_351, %mul3A_352 : i32
      %get3A = arith.index_cast %mul3A_353 : i32 to index
      %get3A_354 = tpu.vector_load %arg9[%get3A] {strides = array<i32>} : memref<1024xi32, #tpu.memory_space<vmem>>, vector<16xi32>,
      %get3A_355 = vector.shape_cast %get3A_354 : vector<16xi32> to vector<16xi32>
      %mul3A_356 = arith.constant 16 : i32
      %mul3A_357 = arith.muli %scan3A_351, %mul3A_356 : i32
      %get3A_358 = arith.index_cast %mul3A_357 : i32 to index
      %get3A_359 = tpu.vector_load %arg10[%get3A_358] {strides = array<i32>} : memref<1024xi32, #tpu.memory_space<vmem>>, vector<16xi32>,
      %get3A_360 = vector.shape_cast %get3A_359 : vector<16xi32> to vector<16xi32>
      %mul3A_361 = arith.constant 4096 : i32
      %mul3A_362 = vector.broadcast %mul3A_361 : i32 to vector<16xi32>
      %mul3A_363 = arith.muli %get3A_355, %mul3A_362 : vector<16xi32>
      %add3A_364 = arith.addi %mul3A_363, %get3A_360 : vector<16xi32>
      %mul3A_365 = arith.constant 16 : i32
      %mul3A_366 = arith.muli %scan3A_351, %mul3A_365 : i32
      %swap3A_367 = arith.index_cast %mul3A_366 : i32 to index
      %swap3A_368 = tpu.vector_load %arg11[%swap3A_367] {strides = array<i32>} : memref<1024xi32, #tpu.memory_space<vmem>>, vector<16xi32>,
      %swap3A_369 = vector.shape_cast %swap3A_368 : vector<16xi32> to vector<16xi32>
      %swap3A_370 = vector.shape_cast %add3A_364 : vector<16xi32> to vector<16xi32>
      tpu.vector_store %arg11[%swap3A_367], %swap3A_370 {strides = array<i32>} : memref<1024xi32, #tpu.memory_space<vmem>>, vector<16xi32>,
    }
    %scan3A_43 = arith.constant 64 : i32
    %dma_start3A_44 = arith.constant 0 : i32
    %dma_start3A_45 = tpu.memref_slice %arg12[%dma_start3A_44] : memref<1024xf32, #tpu.memory_space<vmem>> -> memref<128xf32, #tpu.memory_space<vmem>>
    %dma_start3A_46 = arith.constant 0 : i32
    %dma_start3A_47 = tpu.memref_slice %arg11[%dma_start3A_46] : memref<1024xi32, #tpu.memory_space<vmem>> -> memref<128xi32, #tpu.memory_space<vmem>>
    %dma_start3A_48 = arith.constant 0 : i32
    %dma_start3A_49 = tpu.memref_slice %arg3[%dma_start3A_48] : memref<16777216xf32, #tpu.memory_space<hbm>> -> memref<16777216xf32, #tpu.memory_space<hbm>>
    tpu.enqueue_indirect_dma source(%dma_start3A_49 : memref<16777216xf32, #tpu.memory_space<hbm>>) target(%dma_start3A_45 : memref<128xf32, #tpu.memory_space<vmem>>) offsets(%dma_start3A_47 : memref<128xi32, #tpu.memory_space<vmem>>) semaphore(%arg16 : memref<!tpu.dma_semaphore, #tpu.memory_space<semaphore_mem>>)
    %dma_start3A_50 = arith.constant 128 : i32
    %dma_start3A_51 = tpu.memref_slice %arg12[%dma_start3A_50] : memref<1024xf32, #tpu.memory_space<vmem>> -> memref<128xf32, #tpu.memory_space<vmem>>
    %dma_start3A_52 = arith.constant 128 : i32
    %dma_start3A_53 = tpu.memref_slice %arg11[%dma_start3A_52] : memref<1024xi32, #tpu.memory_space<vmem>> -> memref<128xi32, #tpu.memory_space<vmem>>
    %dma_start3A_54 = arith.constant 0 : i32
    %dma_start3A_55 = tpu.memref_slice %arg3[%dma_start3A_54] : memref<16777216xf32, #tpu.memory_space<hbm>> -> memref<16777216xf32, #tpu.memory_space<hbm>>
    tpu.enqueue_indirect_dma source(%dma_start3A_55 : memref<16777216xf32, #tpu.memory_space<hbm>>) target(%dma_start3A_51 : memref<128xf32, #tpu.memory_space<vmem>>) offsets(%dma_start3A_53 : memref<128xi32, #tpu.memory_space<vmem>>) semaphore(%arg16 : memref<!tpu.dma_semaphore, #tpu.memory_space<semaphore_mem>>)
    %dma_start3A_56 = arith.constant 256 : i32
    %dma_start3A_57 = tpu.memref_slice %arg12[%dma_start3A_56] : memref<1024xf32, #tpu.memory_space<vmem>> -> memref<128xf32, #tpu.memory_space<vmem>>
    %dma_start3A_58 = arith.constant 256 : i32
    %dma_start3A_59 = tpu.memref_slice %arg11[%dma_start3A_58] : memref<1024xi32, #tpu.memory_space<vmem>> -> memref<128xi32, #tpu.memory_space<vmem>>
    %dma_start3A_60 = arith.constant 0 : i32
    %dma_start3A_61 = tpu.memref_slice %arg3[%dma_start3A_60] : memref<16777216xf32, #tpu.memory_space<hbm>> -> memref<16777216xf32, #tpu.memory_space<hbm>>
    tpu.enqueue_indirect_dma source(%dma_start3A_61 : memref<16777216xf32, #tpu.memory_space<hbm>>) target(%dma_start3A_57 : memref<128xf32, #tpu.memory_space<vmem>>) offsets(%dma_start3A_59 : memref<128xi32, #tpu.memory_space<vmem>>) semaphore(%arg16 : memref<!tpu.dma_semaphore, #tpu.memory_space<semaphore_mem>>)
    %dma_start3A_62 = arith.constant 384 : i32
    %dma_start3A_63 = tpu.memref_slice %arg12[%dma_start3A_62] : memref<1024xf32, #tpu.memory_space<vmem>> -> memref<128xf32, #tpu.memory_space<vmem>>
    %dma_start3A_64 = arith.constant 384 : i32
    %dma_start3A_65 = tpu.memref_slice %arg11[%dma_start3A_64] : memref<1024xi32, #tpu.memory_space<vmem>> -> memref<128xi32, #tpu.memory_space<vmem>>
    %dma_start3A_66 = arith.constant 0 : i32
    %dma_start3A_67 = tpu.memref_slice %arg3[%dma_start3A_66] : memref<16777216xf32, #tpu.memory_space<hbm>> -> memref<16777216xf32, #tpu.memory_space<hbm>>
    tpu.enqueue_indirect_dma source(%dma_start3A_67 : memref<16777216xf32, #tpu.memory_space<hbm>>) target(%dma_start3A_63 : memref<128xf32, #tpu.memory_space<vmem>>) offsets(%dma_start3A_65 : memref<128xi32, #tpu.memory_space<vmem>>) semaphore(%arg16 : memref<!tpu.dma_semaphore, #tpu.memory_space<semaphore_mem>>)
    %dma_start3A_68 = arith.constant 512 : i32
    %dma_start3A_69 = tpu.memref_slice %arg12[%dma_start3A_68] : memref<1024xf32, #tpu.memory_space<vmem>> -> memref<128xf32, #tpu.memory_space<vmem>>
    %dma_start3A_70 = arith.constant 512 : i32
    %dma_start3A_71 = tpu.memref_slice %arg11[%dma_start3A_70] : memref<1024xi32, #tpu.memory_space<vmem>> -> memref<128xi32, #tpu.memory_space<vmem>>
    %dma_start3A_72 = arith.constant 0 : i32
    %dma_start3A_73 = tpu.memref_slice %arg3[%dma_start3A_72] : memref<16777216xf32, #tpu.memory_space<hbm>> -> memref<16777216xf32, #tpu.memory_space<hbm>>
    tpu.enqueue_indirect_dma source(%dma_start3A_73 : memref<16777216xf32, #tpu.memory_space<hbm>>) target(%dma_start3A_69 : memref<128xf32, #tpu.memory_space<vmem>>) offsets(%dma_start3A_71 : memref<128xi32, #tpu.memory_space<vmem>>) semaphore(%arg16 : memref<!tpu.dma_semaphore, #tpu.memory_space<semaphore_mem>>)
    %dma_start3A_74 = arith.constant 640 : i32
    %dma_start3A_75 = tpu.memref_slice %arg12[%dma_start3A_74] : memref<1024xf32, #tpu.memory_space<vmem>> -> memref<128xf32, #tpu.memory_space<vmem>>
    %dma_start3A_76 = arith.constant 640 : i32
    %dma_start3A_77 = tpu.memref_slice %arg11[%dma_start3A_76] : memref<1024xi32, #tpu.memory_space<vmem>> -> memref<128xi32, #tpu.memory_space<vmem>>
    %dma_start3A_78 = arith.constant 0 : i32
    %dma_start3A_79 = tpu.memref_slice %arg3[%dma_start3A_78] : memref<16777216xf32, #tpu.memory_space<hbm>> -> memref<16777216xf32, #tpu.memory_space<hbm>>
    tpu.enqueue_indirect_dma source(%dma_start3A_79 : memref<16777216xf32, #tpu.memory_space<hbm>>) target(%dma_start3A_75 : memref<128xf32, #tpu.memory_space<vmem>>) offsets(%dma_start3A_77 : memref<128xi32, #tpu.memory_space<vmem>>) semaphore(%arg16 : memref<!tpu.dma_semaphore, #tpu.memory_space<semaphore_mem>>)
    %dma_start3A_80 = arith.constant 768 : i32
    %dma_start3A_81 = tpu.memref_slice %arg12[%dma_start3A_80] : memref<1024xf32, #tpu.memory_space<vmem>> -> memref<128xf32, #tpu.memory_space<vmem>>
    %dma_start3A_82 = arith.constant 768 : i32
    %dma_start3A_83 = tpu.memref_slice %arg11[%dma_start3A_82] : memref<1024xi32, #tpu.memory_space<vmem>> -> memref<128xi32, #tpu.memory_space<vmem>>
    %dma_start3A_84 = arith.constant 0 : i32
    %dma_start3A_85 = tpu.memref_slice %arg3[%dma_start3A_84] : memref<16777216xf32, #tpu.memory_space<hbm>> -> memref<16777216xf32, #tpu.memory_space<hbm>>
    tpu.enqueue_indirect_dma source(%dma_start3A_85 : memref<16777216xf32, #tpu.memory_space<hbm>>) target(%dma_start3A_81 : memref<128xf32, #tpu.memory_space<vmem>>) offsets(%dma_start3A_83 : memref<128xi32, #tpu.memory_space<vmem>>) semaphore(%arg16 : memref<!tpu.dma_semaphore, #tpu.memory_space<semaphore_mem>>)
    %dma_start3A_86 = arith.constant 896 : i32
    %dma_start3A_87 = tpu.memref_slice %arg12[%dma_start3A_86] : memref<1024xf32, #tpu.memory_space<vmem>> -> memref<128xf32, #tpu.memory_space<vmem>>
    %dma_start3A_88 = arith.constant 896 : i32
    %dma_start3A_89 = tpu.memref_slice %arg11[%dma_start3A_88] : memref<1024xi32, #tpu.memory_space<vmem>> -> memref<128xi32, #tpu.memory_space<vmem>>
    %dma_start3A_90 = arith.constant 0 : i32
    %dma_start3A_91 = tpu.memref_slice %arg3[%dma_start3A_90] : memref<16777216xf32, #tpu.memory_space<hbm>> -> memref<16777216xf32, #tpu.memory_space<hbm>>
    tpu.enqueue_indirect_dma source(%dma_start3A_91 : memref<16777216xf32, #tpu.memory_space<hbm>>) target(%dma_start3A_87 : memref<128xf32, #tpu.memory_space<vmem>>) offsets(%dma_start3A_89 : memref<128xi32, #tpu.memory_space<vmem>>) semaphore(%arg16 : memref<!tpu.dma_semaphore, #tpu.memory_space<semaphore_mem>>)
    %dma_start3A_92 = arith.constant 0 : i32
    %dma_start3A_93 = tpu.memref_slice %arg13[%dma_start3A_92] : memref<1024xf32, #tpu.memory_space<vmem>> -> memref<128xf32, #tpu.memory_space<vmem>>
    %dma_start3A_94 = arith.constant 0 : i32
    %dma_start3A_95 = tpu.memref_slice %arg9[%dma_start3A_94] : memref<1024xi32, #tpu.memory_space<vmem>> -> memref<128xi32, #tpu.memory_space<vmem>>
    %dma_start3A_96 = arith.constant 0 : i32
    %dma_start3A_97 = tpu.memref_slice %arg6[%dma_start3A_96] : memref<4096xf32, #tpu.memory_space<hbm>> -> memref<4096xf32, #tpu.memory_space<hbm>>
    tpu.enqueue_indirect_dma source(%dma_start3A_97 : memref<4096xf32, #tpu.memory_space<hbm>>) target(%dma_start3A_93 : memref<128xf32, #tpu.memory_space<vmem>>) offsets(%dma_start3A_95 : memref<128xi32, #tpu.memory_space<vmem>>) semaphore(%arg16 : memref<!tpu.dma_semaphore, #tpu.memory_space<semaphore_mem>>)
    %dma_start3A_98 = arith.constant 128 : i32
    %dma_start3A_99 = tpu.memref_slice %arg13[%dma_start3A_98] : memref<1024xf32, #tpu.memory_space<vmem>> -> memref<128xf32, #tpu.memory_space<vmem>>
    %dma_start3A_100 = arith.constant 128 : i32
    %dma_start3A_101 = tpu.memref_slice %arg9[%dma_start3A_100] : memref<1024xi32, #tpu.memory_space<vmem>> -> memref<128xi32, #tpu.memory_space<vmem>>
    %dma_start3A_102 = arith.constant 0 : i32
    %dma_start3A_103 = tpu.memref_slice %arg6[%dma_start3A_102] : memref<4096xf32, #tpu.memory_space<hbm>> -> memref<4096xf32, #tpu.memory_space<hbm>>
    tpu.enqueue_indirect_dma source(%dma_start3A_103 : memref<4096xf32, #tpu.memory_space<hbm>>) target(%dma_start3A_99 : memref<128xf32, #tpu.memory_space<vmem>>) offsets(%dma_start3A_101 : memref<128xi32, #tpu.memory_space<vmem>>) semaphore(%arg16 : memref<!tpu.dma_semaphore, #tpu.memory_space<semaphore_mem>>)
    %dma_start3A_104 = arith.constant 256 : i32
    %dma_start3A_105 = tpu.memref_slice %arg13[%dma_start3A_104] : memref<1024xf32, #tpu.memory_space<vmem>> -> memref<128xf32, #tpu.memory_space<vmem>>
    %dma_start3A_106 = arith.constant 256 : i32
    %dma_start3A_107 = tpu.memref_slice %arg9[%dma_start3A_106] : memref<1024xi32, #tpu.memory_space<vmem>> -> memref<128xi32, #tpu.memory_space<vmem>>
    %dma_start3A_108 = arith.constant 0 : i32
    %dma_start3A_109 = tpu.memref_slice %arg6[%dma_start3A_108] : memref<4096xf32, #tpu.memory_space<hbm>> -> memref<4096xf32, #tpu.memory_space<hbm>>
    tpu.enqueue_indirect_dma source(%dma_start3A_109 : memref<4096xf32, #tpu.memory_space<hbm>>) target(%dma_start3A_105 : memref<128xf32, #tpu.memory_space<vmem>>) offsets(%dma_start3A_107 : memref<128xi32, #tpu.memory_space<vmem>>) semaphore(%arg16 : memref<!tpu.dma_semaphore, #tpu.memory_space<semaphore_mem>>)
    %dma_start3A_110 = arith.constant 384 : i32
    %dma_start3A_111 = tpu.memref_slice %arg13[%dma_start3A_110] : memref<1024xf32, #tpu.memory_space<vmem>> -> memref<128xf32, #tpu.memory_space<vmem>>
    %dma_start3A_112 = arith.constant 384 : i32
    %dma_start3A_113 = tpu.memref_slice %arg9[%dma_start3A_112] : memref<1024xi32, #tpu.memory_space<vmem>> -> memref<128xi32, #tpu.memory_space<vmem>>
    %dma_start3A_114 = arith.constant 0 : i32
    %dma_start3A_115 = tpu.memref_slice %arg6[%dma_start3A_114] : memref<4096xf32, #tpu.memory_space<hbm>> -> memref<4096xf32, #tpu.memory_space<hbm>>
    tpu.enqueue_indirect_dma source(%dma_start3A_115 : memref<4096xf32, #tpu.memory_space<hbm>>) target(%dma_start3A_111 : memref<128xf32, #tpu.memory_space<vmem>>) offsets(%dma_start3A_113 : memref<128xi32, #tpu.memory_space<vmem>>) semaphore(%arg16 : memref<!tpu.dma_semaphore, #tpu.memory_space<semaphore_mem>>)
    %dma_start3A_116 = arith.constant 512 : i32
    %dma_start3A_117 = tpu.memref_slice %arg13[%dma_start3A_116] : memref<1024xf32, #tpu.memory_space<vmem>> -> memref<128xf32, #tpu.memory_space<vmem>>
    %dma_start3A_118 = arith.constant 512 : i32
    %dma_start3A_119 = tpu.memref_slice %arg9[%dma_start3A_118] : memref<1024xi32, #tpu.memory_space<vmem>> -> memref<128xi32, #tpu.memory_space<vmem>>
    %dma_start3A_120 = arith.constant 0 : i32
    %dma_start3A_121 = tpu.memref_slice %arg6[%dma_start3A_120] : memref<4096xf32, #tpu.memory_space<hbm>> -> memref<4096xf32, #tpu.memory_space<hbm>>
    tpu.enqueue_indirect_dma source(%dma_start3A_121 : memref<4096xf32, #tpu.memory_space<hbm>>) target(%dma_start3A_117 : memref<128xf32, #tpu.memory_space<vmem>>) offsets(%dma_start3A_119 : memref<128xi32, #tpu.memory_space<vmem>>) semaphore(%arg16 : memref<!tpu.dma_semaphore, #tpu.memory_space<semaphore_mem>>)
    %dma_start3A_122 = arith.constant 640 : i32
    %dma_start3A_123 = tpu.memref_slice %arg13[%dma_start3A_122] : memref<1024xf32, #tpu.memory_space<vmem>> -> memref<128xf32, #tpu.memory_space<vmem>>
    %dma_start3A_124 = arith.constant 640 : i32
    %dma_start3A_125 = tpu.memref_slice %arg9[%dma_start3A_124] : memref<1024xi32, #tpu.memory_space<vmem>> -> memref<128xi32, #tpu.memory_space<vmem>>
    %dma_start3A_126 = arith.constant 0 : i32
    %dma_start3A_127 = tpu.memref_slice %arg6[%dma_start3A_126] : memref<4096xf32, #tpu.memory_space<hbm>> -> memref<4096xf32, #tpu.memory_space<hbm>>
    tpu.enqueue_indirect_dma source(%dma_start3A_127 : memref<4096xf32, #tpu.memory_space<hbm>>) target(%dma_start3A_123 : memref<128xf32, #tpu.memory_space<vmem>>) offsets(%dma_start3A_125 : memref<128xi32, #tpu.memory_space<vmem>>) semaphore(%arg16 : memref<!tpu.dma_semaphore, #tpu.memory_space<semaphore_mem>>)
    %dma_start3A_128 = arith.constant 768 : i32
    %dma_start3A_129 = tpu.memref_slice %arg13[%dma_start3A_128] : memref<1024xf32, #tpu.memory_space<vmem>> -> memref<128xf32, #tpu.memory_space<vmem>>
    %dma_start3A_130 = arith.constant 768 : i32
    %dma_start3A_131 = tpu.memref_slice %arg9[%dma_start3A_130] : memref<1024xi32, #tpu.memory_space<vmem>> -> memref<128xi32, #tpu.memory_space<vmem>>
    %dma_start3A_132 = arith.constant 0 : i32
    %dma_start3A_133 = tpu.memref_slice %arg6[%dma_start3A_132] : memref<4096xf32, #tpu.memory_space<hbm>> -> memref<4096xf32, #tpu.memory_space<hbm>>
    tpu.enqueue_indirect_dma source(%dma_start3A_133 : memref<4096xf32, #tpu.memory_space<hbm>>) target(%dma_start3A_129 : memref<128xf32, #tpu.memory_space<vmem>>) offsets(%dma_start3A_131 : memref<128xi32, #tpu.memory_space<vmem>>) semaphore(%arg16 : memref<!tpu.dma_semaphore, #tpu.memory_space<semaphore_mem>>)
    %dma_start3A_134 = arith.constant 896 : i32
    %dma_start3A_135 = tpu.memref_slice %arg13[%dma_start3A_134] : memref<1024xf32, #tpu.memory_space<vmem>> -> memref<128xf32, #tpu.memory_space<vmem>>
    %dma_start3A_136 = arith.constant 896 : i32
    %dma_start3A_137 = tpu.memref_slice %arg9[%dma_start3A_136] : memref<1024xi32, #tpu.memory_space<vmem>> -> memref<128xi32, #tpu.memory_space<vmem>>
    %dma_start3A_138 = arith.constant 0 : i32
    %dma_start3A_139 = tpu.memref_slice %arg6[%dma_start3A_138] : memref<4096xf32, #tpu.memory_space<hbm>> -> memref<4096xf32, #tpu.memory_space<hbm>>
    tpu.enqueue_indirect_dma source(%dma_start3A_139 : memref<4096xf32, #tpu.memory_space<hbm>>) target(%dma_start3A_135 : memref<128xf32, #tpu.memory_space<vmem>>) offsets(%dma_start3A_137 : memref<128xi32, #tpu.memory_space<vmem>>) semaphore(%arg16 : memref<!tpu.dma_semaphore, #tpu.memory_space<semaphore_mem>>)
    %dma_wait3A_140 = arith.constant 0 : i32
    %dma_wait3A_141 = tpu.memref_slice %arg12[%dma_wait3A_140] : memref<1024xf32, #tpu.memory_space<vmem>> -> memref<128xf32, #tpu.memory_space<vmem>>
    %dma_wait3A_142 = arith.constant 0 : i32
    %dma_wait3A_143 = tpu.memref_slice %arg11[%dma_wait3A_142] : memref<1024xi32, #tpu.memory_space<vmem>> -> memref<128xi32, #tpu.memory_space<vmem>>
    %dma_wait3A_144 = arith.constant 0 : i32
    %dma_wait3A_145 = tpu.memref_slice %arg3[%dma_wait3A_144] : memref<16777216xf32, #tpu.memory_space<hbm>> -> memref<16777216xf32, #tpu.memory_space<hbm>>
    tpu.wait_indirect_dma semaphore(%arg16 : memref<!tpu.dma_semaphore, #tpu.memory_space<semaphore_mem>>) src(%dma_wait3A_145 : memref<16777216xf32, #tpu.memory_space<hbm>>) dst(%dma_wait3A_141 : memref<128xf32, #tpu.memory_space<vmem>>)
    %dma_wait3A_146 = arith.constant 128 : i32
    %dma_wait3A_147 = tpu.memref_slice %arg12[%dma_wait3A_146] : memref<1024xf32, #tpu.memory_space<vmem>> -> memref<128xf32, #tpu.memory_space<vmem>>
    %dma_wait3A_148 = arith.constant 128 : i32
    %dma_wait3A_149 = tpu.memref_slice %arg11[%dma_wait3A_148] : memref<1024xi32, #tpu.memory_space<vmem>> -> memref<128xi32, #tpu.memory_space<vmem>>
    %dma_wait3A_150 = arith.constant 0 : i32
    %dma_wait3A_151 = tpu.memref_slice %arg3[%dma_wait3A_150] : memref<16777216xf32, #tpu.memory_space<hbm>> -> memref<16777216xf32, #tpu.memory_space<hbm>>
    tpu.wait_indirect_dma semaphore(%arg16 : memref<!tpu.dma_semaphore, #tpu.memory_space<semaphore_mem>>) src(%dma_wait3A_151 : memref<16777216xf32, #tpu.memory_space<hbm>>) dst(%dma_wait3A_147 : memref<128xf32, #tpu.memory_space<vmem>>)
    %dma_wait3A_152 = arith.constant 256 : i32
    %dma_wait3A_153 = tpu.memref_slice %arg12[%dma_wait3A_152] : memref<1024xf32, #tpu.memory_space<vmem>> -> memref<128xf32, #tpu.memory_space<vmem>>
    %dma_wait3A_154 = arith.constant 256 : i32
    %dma_wait3A_155 = tpu.memref_slice %arg11[%dma_wait3A_154] : memref<1024xi32, #tpu.memory_space<vmem>> -> memref<128xi32, #tpu.memory_space<vmem>>
    %dma_wait3A_156 = arith.constant 0 : i32
    %dma_wait3A_157 = tpu.memref_slice %arg3[%dma_wait3A_156] : memref<16777216xf32, #tpu.memory_space<hbm>> -> memref<16777216xf32, #tpu.memory_space<hbm>>
    tpu.wait_indirect_dma semaphore(%arg16 : memref<!tpu.dma_semaphore, #tpu.memory_space<semaphore_mem>>) src(%dma_wait3A_157 : memref<16777216xf32, #tpu.memory_space<hbm>>) dst(%dma_wait3A_153 : memref<128xf32, #tpu.memory_space<vmem>>)
    %dma_wait3A_158 = arith.constant 384 : i32
    %dma_wait3A_159 = tpu.memref_slice %arg12[%dma_wait3A_158] : memref<1024xf32, #tpu.memory_space<vmem>> -> memref<128xf32, #tpu.memory_space<vmem>>
    %dma_wait3A_160 = arith.constant 384 : i32
    %dma_wait3A_161 = tpu.memref_slice %arg11[%dma_wait3A_160] : memref<1024xi32, #tpu.memory_space<vmem>> -> memref<128xi32, #tpu.memory_space<vmem>>
    %dma_wait3A_162 = arith.constant 0 : i32
    %dma_wait3A_163 = tpu.memref_slice %arg3[%dma_wait3A_162] : memref<16777216xf32, #tpu.memory_space<hbm>> -> memref<16777216xf32, #tpu.memory_space<hbm>>
    tpu.wait_indirect_dma semaphore(%arg16 : memref<!tpu.dma_semaphore, #tpu.memory_space<semaphore_mem>>) src(%dma_wait3A_163 : memref<16777216xf32, #tpu.memory_space<hbm>>) dst(%dma_wait3A_159 : memref<128xf32, #tpu.memory_space<vmem>>)
    %dma_wait3A_164 = arith.constant 512 : i32
    %dma_wait3A_165 = tpu.memref_slice %arg12[%dma_wait3A_164] : memref<1024xf32, #tpu.memory_space<vmem>> -> memref<128xf32, #tpu.memory_space<vmem>>
    %dma_wait3A_166 = arith.constant 512 : i32
    %dma_wait3A_167 = tpu.memref_slice %arg11[%dma_wait3A_166] : memref<1024xi32, #tpu.memory_space<vmem>> -> memref<128xi32, #tpu.memory_space<vmem>>
    %dma_wait3A_168 = arith.constant 0 : i32
    %dma_wait3A_169 = tpu.memref_slice %arg3[%dma_wait3A_168] : memref<16777216xf32, #tpu.memory_space<hbm>> -> memref<16777216xf32, #tpu.memory_space<hbm>>
    tpu.wait_indirect_dma semaphore(%arg16 : memref<!tpu.dma_semaphore, #tpu.memory_space<semaphore_mem>>) src(%dma_wait3A_169 : memref<16777216xf32, #tpu.memory_space<hbm>>) dst(%dma_wait3A_165 : memref<128xf32, #tpu.memory_space<vmem>>)
    %dma_wait3A_170 = arith.constant 640 : i32
    %dma_wait3A_171 = tpu.memref_slice %arg12[%dma_wait3A_170] : memref<1024xf32, #tpu.memory_space<vmem>> -> memref<128xf32, #tpu.memory_space<vmem>>
    %dma_wait3A_172 = arith.constant 640 : i32
    %dma_wait3A_173 = tpu.memref_slice %arg11[%dma_wait3A_172] : memref<1024xi32, #tpu.memory_space<vmem>> -> memref<128xi32, #tpu.memory_space<vmem>>
    %dma_wait3A_174 = arith.constant 0 : i32
    %dma_wait3A_175 = tpu.memref_slice %arg3[%dma_wait3A_174] : memref<16777216xf32, #tpu.memory_space<hbm>> -> memref<16777216xf32, #tpu.memory_space<hbm>>
    tpu.wait_indirect_dma semaphore(%arg16 : memref<!tpu.dma_semaphore, #tpu.memory_space<semaphore_mem>>) src(%dma_wait3A_175 : memref<16777216xf32, #tpu.memory_space<hbm>>) dst(%dma_wait3A_171 : memref<128xf32, #tpu.memory_space<vmem>>)
    %dma_wait3A_176 = arith.constant 768 : i32
    %dma_wait3A_177 = tpu.memref_slice %arg12[%dma_wait3A_176] : memref<1024xf32, #tpu.memory_space<vmem>> -> memref<128xf32, #tpu.memory_space<vmem>>
    %dma_wait3A_178 = arith.constant 768 : i32
    %dma_wait3A_179 = tpu.memref_slice %arg11[%dma_wait3A_178] : memref<1024xi32, #tpu.memory_space<vmem>> -> memref<128xi32, #tpu.memory_space<vmem>>
    %dma_wait3A_180 = arith.constant 0 : i32
    %dma_wait3A_181 = tpu.memref_slice %arg3[%dma_wait3A_180] : memref<16777216xf32, #tpu.memory_space<hbm>> -> memref<16777216xf32, #tpu.memory_space<hbm>>
    tpu.wait_indirect_dma semaphore(%arg16 : memref<!tpu.dma_semaphore, #tpu.memory_space<semaphore_mem>>) src(%dma_wait3A_181 : memref<16777216xf32, #tpu.memory_space<hbm>>) dst(%dma_wait3A_177 : memref<128xf32, #tpu.memory_space<vmem>>)
    %dma_wait3A_182 = arith.constant 896 : i32
    %dma_wait3A_183 = tpu.memref_slice %arg12[%dma_wait3A_182] : memref<1024xf32, #tpu.memory_space<vmem>> -> memref<128xf32, #tpu.memory_space<vmem>>
    %dma_wait3A_184 = arith.constant 896 : i32
    %dma_wait3A_185 = tpu.memref_slice %arg11[%dma_wait3A_184] : memref<1024xi32, #tpu.memory_space<vmem>> -> memref<128xi32, #tpu.memory_space<vmem>>
    %dma_wait3A_186 = arith.constant 0 : i32
    %dma_wait3A_187 = tpu.memref_slice %arg3[%dma_wait3A_186] : memref<16777216xf32, #tpu.memory_space<hbm>> -> memref<16777216xf32, #tpu.memory_space<hbm>>
    tpu.wait_indirect_dma semaphore(%arg16 : memref<!tpu.dma_semaphore, #tpu.memory_space<semaphore_mem>>) src(%dma_wait3A_187 : memref<16777216xf32, #tpu.memory_space<hbm>>) dst(%dma_wait3A_183 : memref<128xf32, #tpu.memory_space<vmem>>)
    %dma_wait3A_188 = arith.constant 0 : i32
    %dma_wait3A_189 = tpu.memref_slice %arg13[%dma_wait3A_188] : memref<1024xf32, #tpu.memory_space<vmem>> -> memref<128xf32, #tpu.memory_space<vmem>>
    %dma_wait3A_190 = arith.constant 0 : i32
    %dma_wait3A_191 = tpu.memref_slice %arg9[%dma_wait3A_190] : memref<1024xi32, #tpu.memory_space<vmem>> -> memref<128xi32, #tpu.memory_space<vmem>>
    %dma_wait3A_192 = arith.constant 0 : i32
    %dma_wait3A_193 = tpu.memref_slice %arg6[%dma_wait3A_192] : memref<4096xf32, #tpu.memory_space<hbm>> -> memref<4096xf32, #tpu.memory_space<hbm>>
    tpu.wait_indirect_dma semaphore(%arg16 : memref<!tpu.dma_semaphore, #tpu.memory_space<semaphore_mem>>) src(%dma_wait3A_193 : memref<4096xf32, #tpu.memory_space<hbm>>) dst(%dma_wait3A_189 : memref<128xf32, #tpu.memory_space<vmem>>)
    %dma_wait3A_194 = arith.constant 128 : i32
    %dma_wait3A_195 = tpu.memref_slice %arg13[%dma_wait3A_194] : memref<1024xf32, #tpu.memory_space<vmem>> -> memref<128xf32, #tpu.memory_space<vmem>>
    %dma_wait3A_196 = arith.constant 128 : i32
    %dma_wait3A_197 = tpu.memref_slice %arg9[%dma_wait3A_196] : memref<1024xi32, #tpu.memory_space<vmem>> -> memref<128xi32, #tpu.memory_space<vmem>>
    %dma_wait3A_198 = arith.constant 0 : i32
    %dma_wait3A_199 = tpu.memref_slice %arg6[%dma_wait3A_198] : memref<4096xf32, #tpu.memory_space<hbm>> -> memref<4096xf32, #tpu.memory_space<hbm>>
    tpu.wait_indirect_dma semaphore(%arg16 : memref<!tpu.dma_semaphore, #tpu.memory_space<semaphore_mem>>) src(%dma_wait3A_199 : memref<4096xf32, #tpu.memory_space<hbm>>) dst(%dma_wait3A_195 : memref<128xf32, #tpu.memory_space<vmem>>)
    %dma_wait3A_200 = arith.constant 256 : i32
    %dma_wait3A_201 = tpu.memref_slice %arg13[%dma_wait3A_200] : memref<1024xf32, #tpu.memory_space<vmem>> -> memref<128xf32, #tpu.memory_space<vmem>>
    %dma_wait3A_202 = arith.constant 256 : i32
    %dma_wait3A_203 = tpu.memref_slice %arg9[%dma_wait3A_202] : memref<1024xi32, #tpu.memory_space<vmem>> -> memref<128xi32, #tpu.memory_space<vmem>>
    %dma_wait3A_204 = arith.constant 0 : i32
    %dma_wait3A_205 = tpu.memref_slice %arg6[%dma_wait3A_204] : memref<4096xf32, #tpu.memory_space<hbm>> -> memref<4096xf32, #tpu.memory_space<hbm>>
    tpu.wait_indirect_dma semaphore(%arg16 : memref<!tpu.dma_semaphore, #tpu.memory_space<semaphore_mem>>) src(%dma_wait3A_205 : memref<4096xf32, #tpu.memory_space<hbm>>) dst(%dma_wait3A_201 : memref<128xf32, #tpu.memory_space<vmem>>)
    %dma_wait3A_206 = arith.constant 384 : i32
    %dma_wait3A_207 = tpu.memref_slice %arg13[%dma_wait3A_206] : memref<1024xf32, #tpu.memory_space<vmem>> -> memref<128xf32, #tpu.memory_space<vmem>>
    %dma_wait3A_208 = arith.constant 384 : i32
    %dma_wait3A_209 = tpu.memref_slice %arg9[%dma_wait3A_208] : memref<1024xi32, #tpu.memory_space<vmem>> -> memref<128xi32, #tpu.memory_space<vmem>>
    %dma_wait3A_210 = arith.constant 0 : i32
    %dma_wait3A_211 = tpu.memref_slice %arg6[%dma_wait3A_210] : memref<4096xf32, #tpu.memory_space<hbm>> -> memref<4096xf32, #tpu.memory_space<hbm>>
    tpu.wait_indirect_dma semaphore(%arg16 : memref<!tpu.dma_semaphore, #tpu.memory_space<semaphore_mem>>) src(%dma_wait3A_211 : memref<4096xf32, #tpu.memory_space<hbm>>) dst(%dma_wait3A_207 : memref<128xf32, #tpu.memory_space<vmem>>)
    %dma_wait3A_212 = arith.constant 512 : i32
    %dma_wait3A_213 = tpu.memref_slice %arg13[%dma_wait3A_212] : memref<1024xf32, #tpu.memory_space<vmem>> -> memref<128xf32, #tpu.memory_space<vmem>>
    %dma_wait3A_214 = arith.constant 512 : i32
    %dma_wait3A_215 = tpu.memref_slice %arg9[%dma_wait3A_214] : memref<1024xi32, #tpu.memory_space<vmem>> -> memref<128xi32, #tpu.memory_space<vmem>>
    %dma_wait3A_216 = arith.constant 0 : i32
    %dma_wait3A_217 = tpu.memref_slice %arg6[%dma_wait3A_216] : memref<4096xf32, #tpu.memory_space<hbm>> -> memref<4096xf32, #tpu.memory_space<hbm>>
    tpu.wait_indirect_dma semaphore(%arg16 : memref<!tpu.dma_semaphore, #tpu.memory_space<semaphore_mem>>) src(%dma_wait3A_217 : memref<4096xf32, #tpu.memory_space<hbm>>) dst(%dma_wait3A_213 : memref<128xf32, #tpu.memory_space<vmem>>)
    %dma_wait3A_218 = arith.constant 640 : i32
    %dma_wait3A_219 = tpu.memref_slice %arg13[%dma_wait3A_218] : memref<1024xf32, #tpu.memory_space<vmem>> -> memref<128xf32, #tpu.memory_space<vmem>>
    %dma_wait3A_220 = arith.constant 640 : i32
    %dma_wait3A_221 = tpu.memref_slice %arg9[%dma_wait3A_220] : memref<1024xi32, #tpu.memory_space<vmem>> -> memref<128xi32, #tpu.memory_space<vmem>>
    %dma_wait3A_222 = arith.constant 0 : i32
    %dma_wait3A_223 = tpu.memref_slice %arg6[%dma_wait3A_222] : memref<4096xf32, #tpu.memory_space<hbm>> -> memref<4096xf32, #tpu.memory_space<hbm>>
    tpu.wait_indirect_dma semaphore(%arg16 : memref<!tpu.dma_semaphore, #tpu.memory_space<semaphore_mem>>) src(%dma_wait3A_223 : memref<4096xf32, #tpu.memory_space<hbm>>) dst(%dma_wait3A_219 : memref<128xf32, #tpu.memory_space<vmem>>)
    %dma_wait3A_224 = arith.constant 768 : i32
    %dma_wait3A_225 = tpu.memref_slice %arg13[%dma_wait3A_224] : memref<1024xf32, #tpu.memory_space<vmem>> -> memref<128xf32, #tpu.memory_space<vmem>>
    %dma_wait3A_226 = arith.constant 768 : i32
    %dma_wait3A_227 = tpu.memref_slice %arg9[%dma_wait3A_226] : memref<1024xi32, #tpu.memory_space<vmem>> -> memref<128xi32, #tpu.memory_space<vmem>>
    %dma_wait3A_228 = arith.constant 0 : i32
    %dma_wait3A_229 = tpu.memref_slice %arg6[%dma_wait3A_228] : memref<4096xf32, #tpu.memory_space<hbm>> -> memref<4096xf32, #tpu.memory_space<hbm>>
    tpu.wait_indirect_dma semaphore(%arg16 : memref<!tpu.dma_semaphore, #tpu.memory_space<semaphore_mem>>) src(%dma_wait3A_229 : memref<4096xf32, #tpu.memory_space<hbm>>) dst(%dma_wait3A_225 : memref<128xf32, #tpu.memory_space<vmem>>)
    %dma_wait3A_230 = arith.constant 896 : i32
    %dma_wait3A_231 = tpu.memref_slice %arg13[%dma_wait3A_230] : memref<1024xf32, #tpu.memory_space<vmem>> -> memref<128xf32, #tpu.memory_space<vmem>>
    %dma_wait3A_232 = arith.constant 896 : i32
    %dma_wait3A_233 = tpu.memref_slice %arg9[%dma_wait3A_232] : memref<1024xi32, #tpu.memory_space<vmem>> -> memref<128xi32, #tpu.memory_space<vmem>>
    %dma_wait3A_234 = arith.constant 0 : i32
    %dma_wait3A_235 = tpu.memref_slice %arg6[%dma_wait3A_234] : memref<4096xf32, #tpu.memory_space<hbm>> -> memref<4096xf32, #tpu.memory_space<hbm>>
    tpu.wait_indirect_dma semaphore(%arg16 : memref<!tpu.dma_semaphore, #tpu.memory_space<semaphore_mem>>) src(%dma_wait3A_235 : memref<4096xf32, #tpu.memory_space<hbm>>) dst(%dma_wait3A_231 : memref<128xf32, #tpu.memory_space<vmem>>)
    %broadcast_in_dim3A = arith.constant 0.000000e+00 : f32
    %broadcast_in_dim3A_236 = vector.broadcast %broadcast_in_dim3A : f32 to vector<16xf32>
    %scan3A_237 = arith.constant 0 : i32
    %scan3A_238 = arith.constant 64 : i32
    %scan3A_239 = arith.addi %scan3A_237, %scan3A_238 : i32
    %scan3A_240 = arith.constant 1 : i32
    %scan3A_241 = scf.for %scan3A_351 = %scan3A_237 to %scan3A_239 step %scan3A_240 iter_args(%scan3A_352 = %broadcast_in_dim3A_236) -> (vector<16xf32>)  : i32 {
      %mul3A_353 = arith.constant 16 : i32
      %mul3A_354 = arith.muli %scan3A_351, %mul3A_353 : i32
      %get3A = arith.index_cast %mul3A_354 : i32 to index
      %get3A_355 = tpu.vector_load %arg13[%get3A] {strides = array<i32>} : memref<1024xf32, #tpu.memory_space<vmem>>, vector<16xf32>,
      %get3A_356 = vector.shape_cast %get3A_355 : vector<16xf32> to vector<16xf32>
      %mul3A_357 = arith.constant 16 : i32
      %mul3A_358 = arith.muli %scan3A_351, %mul3A_357 : i32
      %get3A_359 = arith.index_cast %mul3A_358 : i32 to index
      %get3A_360 = tpu.vector_load %arg12[%get3A_359] {strides = array<i32>} : memref<1024xf32, #tpu.memory_space<vmem>>, vector<16xf32>,
      %get3A_361 = vector.shape_cast %get3A_360 : vector<16xf32> to vector<16xf32>
      %sub3A = arith.subf %get3A_356, %get3A_361 : vector<16xf32>
      %add3A_362 = arith.addf %scan3A_352, %sub3A : vector<16xf32>
      scf.yield %add3A_362 : vector<16xf32>
    }
    %scan3A_242 = arith.constant 64 : i32
    %swap3A = arith.constant 0 : index
    %swap3A_243 = tpu.vector_load %arg15[%swap3A] {strides = array<i32>} : memref<16xf32, #tpu.memory_space<vmem>>, vector<16xf32>,
    %swap3A_244 = vector.shape_cast %swap3A_243 : vector<16xf32> to vector<16xf32>
    %swap3A_245 = vector.shape_cast %scan3A_241 : vector<16xf32> to vector<16xf32>
    tpu.vector_store %arg15[%swap3A], %swap3A_245 {strides = array<i32>} : memref<16xf32, #tpu.memory_space<vmem>>, vector<16xf32>,
    "tpu.region"() ({
      %run_scoped3A = tpu.sem_alloc : memref<!tpu.dma_semaphore, #tpu.memory_space<semaphore_mem>>
      %dma_start3A_351 = arith.constant 0 : i32
      %dma_start3A_352 = tpu.memref_slice %arg8[%add3A, %dma_start3A_351] : memref<32x16xf32, #tpu.memory_space<hbm>> -> memref<1x16xf32, #tpu.memory_space<hbm>>
      %dma_start3A_353 = tpu.memref_squeeze %dma_start3A_352 : memref<1x16xf32, #tpu.memory_space<hbm>> -> memref<16xf32, #tpu.memory_space<hbm>>
      %dma_start3A_354 = arith.constant 0 : i32
      %dma_start3A_355 = tpu.memref_slice %arg8[%add3A, %dma_start3A_354] : memref<32x16xf32, #tpu.memory_space<hbm>> -> memref<1x16xf32, #tpu.memory_space<hbm>>
      %dma_start3A_356 = tpu.memref_squeeze %dma_start3A_355 : memref<1x16xf32, #tpu.memory_space<hbm>> -> memref<16xf32, #tpu.memory_space<hbm>>
      tpu.enqueue_dma source(%arg15 : memref<16xf32, #tpu.memory_space<vmem>>) target(%dma_start3A_356 : memref<16xf32, #tpu.memory_space<hbm>>) target_semaphore(%run_scoped3A : memref<!tpu.dma_semaphore, #tpu.memory_space<semaphore_mem>>)
      %dma_wait3A_357 = arith.constant 0 : i32
      %dma_wait3A_358 = tpu.memref_slice %arg8[%add3A, %dma_wait3A_357] : memref<32x16xf32, #tpu.memory_space<hbm>> -> memref<1x16xf32, #tpu.memory_space<hbm>>
      %dma_wait3A_359 = tpu.memref_squeeze %dma_wait3A_358 : memref<1x16xf32, #tpu.memory_space<hbm>> -> memref<16xf32, #tpu.memory_space<hbm>>
      %dma_wait3A_360 = arith.constant 0 : i32
      %dma_wait3A_361 = tpu.memref_slice %arg8[%add3A, %dma_wait3A_360] : memref<32x16xf32, #tpu.memory_space<hbm>> -> memref<1x16xf32, #tpu.memory_space<hbm>>
      %dma_wait3A_362 = tpu.memref_squeeze %dma_wait3A_361 : memref<1x16xf32, #tpu.memory_space<hbm>> -> memref<16xf32, #tpu.memory_space<hbm>>
      tpu.wait_dma2 semaphore(%run_scoped3A : memref<!tpu.dma_semaphore, #tpu.memory_space<semaphore_mem>>) src(%arg15 : memref<16xf32, #tpu.memory_space<vmem>>) dst(%dma_wait3A_362 : memref<16xf32, #tpu.memory_space<hbm>>)
      tpu.yield
    }) : () -> ()
    %scan3A_246 = arith.constant 0 : i32
    %scan3A_247 = arith.constant 0 : i32
    %scan3A_248 = arith.constant 42 : i32
    %scan3A_249 = arith.addi %scan3A_247, %scan3A_248 : i32
    %scan3A_250 = arith.constant 1 : i32
    scf.for %scan3A_351 = %scan3A_247 to %scan3A_249 step %scan3A_250  : i32 {
      %mul3A_352 = arith.constant 3 : i32
      %mul3A_353 = arith.muli %scan3A_351, %mul3A_352 : i32
      %add3A_354 = arith.constant 0 : i32
      %add3A_355 = arith.addi %mul3A_353, %add3A_354 : i32
      %dma_wait3A_356 = arith.constant 0 : i32
      %dma_wait3A_357 = arith.constant 0 : i32
      %dma_wait3A_358 = arith.constant 0 : i32
      %dma_wait3A_359 = tpu.memref_slice %arg14[%dma_wait3A_356, %dma_wait3A_357, %dma_wait3A_358] : memref<3x8x4096xf32, #tpu.memory_space<vmem>> -> memref<1x8x4096xf32, #tpu.memory_space<vmem>>
      %dma_wait3A_360 = tpu.memref_squeeze %dma_wait3A_359 : memref<1x8x4096xf32, #tpu.memory_space<vmem>> -> memref<8x4096xf32, #tpu.memory_space<vmem>>
      %dma_wait3A_361 = arith.constant 0 : i32
      %dma_wait3A_362 = arith.constant 0 : i32
      %dma_wait3A_363 = tpu.memref_slice %arg2[%dma_wait3A_361, %dma_wait3A_362] : memref<4096x4096xf32, #tpu.memory_space<hbm>> -> memref<8x4096xf32, #tpu.memory_space<hbm>>
      %dma_wait3A_364 = arith.constant 0 : i32
      %dma_wait3A_365 = arith.constant 0 : i32
      %dma_wait3A_366 = tpu.memref_slice %arg14[%dma_wait3A_356, %dma_wait3A_364, %dma_wait3A_365] : memref<3x8x4096xf32, #tpu.memory_space<vmem>> -> memref<1x8x4096xf32, #tpu.memory_space<vmem>>
      %dma_wait3A_367 = tpu.memref_squeeze %dma_wait3A_366 : memref<1x8x4096xf32, #tpu.memory_space<vmem>> -> memref<8x4096xf32, #tpu.memory_space<vmem>>
      %dma_wait3A_368 = arith.constant 0 : i32
      %dma_wait3A_369 = arith.constant 0 : i32
      %dma_wait3A_370 = tpu.memref_slice %arg2[%dma_wait3A_368, %dma_wait3A_369] : memref<4096x4096xf32, #tpu.memory_space<hbm>> -> memref<8x4096xf32, #tpu.memory_space<hbm>>
      tpu.wait_dma2 semaphore(%arg17 : memref<!tpu.dma_semaphore, #tpu.memory_space<semaphore_mem>>) src(%dma_wait3A_370 : memref<8x4096xf32, #tpu.memory_space<hbm>>) dst(%dma_wait3A_367 : memref<8x4096xf32, #tpu.memory_space<vmem>>)
      %mul3A_371 = arith.constant 8 : i32
      %mul3A_372 = arith.muli %add3A_355, %mul3A_371 : i32
      %add3A_373 = arith.addi %mul3A_2, %mul3A_372 : i32
      %dma_start3A_374 = arith.constant 0 : i32
      %dma_start3A_375 = arith.constant 0 : i32
      %dma_start3A_376 = arith.constant 0 : i32
      %dma_start3A_377 = tpu.memref_slice %arg14[%dma_start3A_374, %dma_start3A_375, %dma_start3A_376] : memref<3x8x4096xf32, #tpu.memory_space<vmem>> -> memref<1x8x4096xf32, #tpu.memory_space<vmem>>
      %dma_start3A_378 = tpu.memref_squeeze %dma_start3A_377 : memref<1x8x4096xf32, #tpu.memory_space<vmem>> -> memref<8x4096xf32, #tpu.memory_space<vmem>>
      %dma_start3A_379 = arith.constant 0 : i32
      %dma_start3A_380 = tpu.memref_slice %arg7[%add3A_373, %dma_start3A_379] : memref<32768x4096xf32, #tpu.memory_space<hbm>> -> memref<8x4096xf32, #tpu.memory_space<hbm>>
      %dma_start3A_381 = arith.constant 0 : i32
      %dma_start3A_382 = tpu.memref_slice %arg7[%add3A_373, %dma_start3A_381] : memref<32768x4096xf32, #tpu.memory_space<hbm>> -> memref<8x4096xf32, #tpu.memory_space<hbm>>
      %dma_start3A_383 = arith.constant 0 : i32
      %dma_start3A_384 = arith.constant 0 : i32
      %dma_start3A_385 = tpu.memref_slice %arg14[%dma_start3A_374, %dma_start3A_383, %dma_start3A_384] : memref<3x8x4096xf32, #tpu.memory_space<vmem>> -> memref<1x8x4096xf32, #tpu.memory_space<vmem>>
      %dma_start3A_386 = tpu.memref_squeeze %dma_start3A_385 : memref<1x8x4096xf32, #tpu.memory_space<vmem>> -> memref<8x4096xf32, #tpu.memory_space<vmem>>
      tpu.enqueue_dma source(%dma_start3A_386 : memref<8x4096xf32, #tpu.memory_space<vmem>>) target(%dma_start3A_382 : memref<8x4096xf32, #tpu.memory_space<hbm>>) target_semaphore(%arg20 : memref<!tpu.dma_semaphore, #tpu.memory_space<semaphore_mem>>)
      %add3A_387 = arith.constant 3 : i32
      %add3A_388 = arith.addi %add3A_355, %add3A_387 : i32
      %lt3A = arith.constant 128 : i32
      %lt3A_389 = arith.cmpi slt, %add3A_388, %lt3A : i32
      %convert_element_type3A = arith.extui %lt3A_389 : i1 to i32
      %cond3A = arith.constant 0 : i32
      %cond3A_390 = arith.cmpi ne, %convert_element_type3A, %cond3A : i32
      scf.if %cond3A_390 {
        %dma_wait3A_475 = arith.constant 0 : i32
        %dma_wait3A_476 = arith.constant 0 : i32
        %dma_wait3A_477 = arith.constant 0 : i32
        %dma_wait3A_478 = tpu.memref_slice %arg14[%dma_wait3A_475, %dma_wait3A_476, %dma_wait3A_477] : memref<3x8x4096xf32, #tpu.memory_space<vmem>> -> memref<1x8x4096xf32, #tpu.memory_space<vmem>>
        %dma_wait3A_479 = tpu.memref_squeeze %dma_wait3A_478 : memref<1x8x4096xf32, #tpu.memory_space<vmem>> -> memref<8x4096xf32, #tpu.memory_space<vmem>>
        %dma_wait3A_480 = arith.constant 0 : i32
        %dma_wait3A_481 = tpu.memref_slice %arg7[%mul3A_2, %dma_wait3A_480] : memref<32768x4096xf32, #tpu.memory_space<hbm>> -> memref<8x4096xf32, #tpu.memory_space<hbm>>
        %dma_wait3A_482 = arith.constant 0 : i32
        %dma_wait3A_483 = tpu.memref_slice %arg7[%mul3A_2, %dma_wait3A_482] : memref<32768x4096xf32, #tpu.memory_space<hbm>> -> memref<8x4096xf32, #tpu.memory_space<hbm>>
        %dma_wait3A_484 = arith.constant 0 : i32
        %dma_wait3A_485 = arith.constant 0 : i32
        %dma_wait3A_486 = tpu.memref_slice %arg14[%dma_wait3A_475, %dma_wait3A_484, %dma_wait3A_485] : memref<3x8x4096xf32, #tpu.memory_space<vmem>> -> memref<1x8x4096xf32, #tpu.memory_space<vmem>>
        %dma_wait3A_487 = tpu.memref_squeeze %dma_wait3A_486 : memref<1x8x4096xf32, #tpu.memory_space<vmem>> -> memref<8x4096xf32, #tpu.memory_space<vmem>>
        tpu.wait_dma2 semaphore(%arg20 : memref<!tpu.dma_semaphore, #tpu.memory_space<semaphore_mem>>) src(%dma_wait3A_487 : memref<8x4096xf32, #tpu.memory_space<vmem>>) dst(%dma_wait3A_483 : memref<8x4096xf32, #tpu.memory_space<hbm>>)
        %add3A_488 = arith.constant 3 : i32
        %add3A_489 = arith.addi %add3A_355, %add3A_488 : i32
        %mul3A_490 = arith.constant 8 : i32
        %mul3A_491 = arith.muli %add3A_489, %mul3A_490 : i32
        %dma_start3A_492 = arith.constant 0 : i32
        %dma_start3A_493 = arith.constant 0 : i32
        %dma_start3A_494 = arith.constant 0 : i32
        %dma_start3A_495 = tpu.memref_slice %arg14[%dma_start3A_492, %dma_start3A_493, %dma_start3A_494] : memref<3x8x4096xf32, #tpu.memory_space<vmem>> -> memref<1x8x4096xf32, #tpu.memory_space<vmem>>
        %dma_start3A_496 = tpu.memref_squeeze %dma_start3A_495 : memref<1x8x4096xf32, #tpu.memory_space<vmem>> -> memref<8x4096xf32, #tpu.memory_space<vmem>>
        %dma_start3A_497 = tpu.memref_slice %arg9[%mul3A_491] : memref<1024xi32, #tpu.memory_space<vmem>> -> memref<8xi32, #tpu.memory_space<vmem>>
        %dma_start3A_498 = arith.constant 0 : i32
        %dma_start3A_499 = arith.constant 0 : i32
        %dma_start3A_500 = tpu.memref_slice %arg2[%dma_start3A_498, %dma_start3A_499] : memref<4096x4096xf32, #tpu.memory_space<hbm>> -> memref<4096x4096xf32, #tpu.memory_space<hbm>>
        tpu.enqueue_indirect_dma source(%dma_start3A_500 : memref<4096x4096xf32, #tpu.memory_space<hbm>>) target(%dma_start3A_496 : memref<8x4096xf32, #tpu.memory_space<vmem>>) offsets(%dma_start3A_497 : memref<8xi32, #tpu.memory_space<vmem>>) semaphore(%arg17 : memref<!tpu.dma_semaphore, #tpu.memory_space<semaphore_mem>>)
      } else {
      }
      %mul3A_391 = arith.constant 3 : i32
      %mul3A_392 = arith.muli %scan3A_351, %mul3A_391 : i32
      %add3A_393 = arith.constant 1 : i32
      %add3A_394 = arith.addi %mul3A_392, %add3A_393 : i32
      %dma_wait3A_395 = arith.constant 1 : i32
      %dma_wait3A_396 = arith.constant 0 : i32
      %dma_wait3A_397 = arith.constant 0 : i32
      %dma_wait3A_398 = tpu.memref_slice %arg14[%dma_wait3A_395, %dma_wait3A_396, %dma_wait3A_397] : memref<3x8x4096xf32, #tpu.memory_space<vmem>> -> memref<1x8x4096xf32, #tpu.memory_space<vmem>>
      %dma_wait3A_399 = tpu.memref_squeeze %dma_wait3A_398 : memref<1x8x4096xf32, #tpu.memory_space<vmem>> -> memref<8x4096xf32, #tpu.memory_space<vmem>>
      %dma_wait3A_400 = arith.constant 0 : i32
      %dma_wait3A_401 = arith.constant 0 : i32
      %dma_wait3A_402 = tpu.memref_slice %arg2[%dma_wait3A_400, %dma_wait3A_401] : memref<4096x4096xf32, #tpu.memory_space<hbm>> -> memref<8x4096xf32, #tpu.memory_space<hbm>>
      %dma_wait3A_403 = arith.constant 0 : i32
      %dma_wait3A_404 = arith.constant 0 : i32
      %dma_wait3A_405 = tpu.memref_slice %arg14[%dma_wait3A_395, %dma_wait3A_403, %dma_wait3A_404] : memref<3x8x4096xf32, #tpu.memory_space<vmem>> -> memref<1x8x4096xf32, #tpu.memory_space<vmem>>
      %dma_wait3A_406 = tpu.memref_squeeze %dma_wait3A_405 : memref<1x8x4096xf32, #tpu.memory_space<vmem>> -> memref<8x4096xf32, #tpu.memory_space<vmem>>
      %dma_wait3A_407 = arith.constant 0 : i32
      %dma_wait3A_408 = arith.constant 0 : i32
      %dma_wait3A_409 = tpu.memref_slice %arg2[%dma_wait3A_407, %dma_wait3A_408] : memref<4096x4096xf32, #tpu.memory_space<hbm>> -> memref<8x4096xf32, #tpu.memory_space<hbm>>
      tpu.wait_dma2 semaphore(%arg18 : memref<!tpu.dma_semaphore, #tpu.memory_space<semaphore_mem>>) src(%dma_wait3A_409 : memref<8x4096xf32, #tpu.memory_space<hbm>>) dst(%dma_wait3A_406 : memref<8x4096xf32, #tpu.memory_space<vmem>>)
      %mul3A_410 = arith.constant 8 : i32
      %mul3A_411 = arith.muli %add3A_394, %mul3A_410 : i32
      %add3A_412 = arith.addi %mul3A_2, %mul3A_411 : i32
      %dma_start3A_413 = arith.constant 1 : i32
      %dma_start3A_414 = arith.constant 0 : i32
      %dma_start3A_415 = arith.constant 0 : i32
      %dma_start3A_416 = tpu.memref_slice %arg14[%dma_start3A_413, %dma_start3A_414, %dma_start3A_415] : memref<3x8x4096xf32, #tpu.memory_space<vmem>> -> memref<1x8x4096xf32, #tpu.memory_space<vmem>>
      %dma_start3A_417 = tpu.memref_squeeze %dma_start3A_416 : memref<1x8x4096xf32, #tpu.memory_space<vmem>> -> memref<8x4096xf32, #tpu.memory_space<vmem>>
      %dma_start3A_418 = arith.constant 0 : i32
      %dma_start3A_419 = tpu.memref_slice %arg7[%add3A_412, %dma_start3A_418] : memref<32768x4096xf32, #tpu.memory_space<hbm>> -> memref<8x4096xf32, #tpu.memory_space<hbm>>
      %dma_start3A_420 = arith.constant 0 : i32
      %dma_start3A_421 = tpu.memref_slice %arg7[%add3A_412, %dma_start3A_420] : memref<32768x4096xf32, #tpu.memory_space<hbm>> -> memref<8x4096xf32, #tpu.memory_space<hbm>>
      %dma_start3A_422 = arith.constant 0 : i32
      %dma_start3A_423 = arith.constant 0 : i32
      %dma_start3A_424 = tpu.memref_slice %arg14[%dma_start3A_413, %dma_start3A_422, %dma_start3A_423] : memref<3x8x4096xf32, #tpu.memory_space<vmem>> -> memref<1x8x4096xf32, #tpu.memory_space<vmem>>
      %dma_start3A_425 = tpu.memref_squeeze %dma_start3A_424 : memref<1x8x4096xf32, #tpu.memory_space<vmem>> -> memref<8x4096xf32, #tpu.memory_space<vmem>>
      tpu.enqueue_dma source(%dma_start3A_425 : memref<8x4096xf32, #tpu.memory_space<vmem>>) target(%dma_start3A_421 : memref<8x4096xf32, #tpu.memory_space<hbm>>) target_semaphore(%arg21 : memref<!tpu.dma_semaphore, #tpu.memory_space<semaphore_mem>>)
      %add3A_426 = arith.constant 3 : i32
      %add3A_427 = arith.addi %add3A_394, %add3A_426 : i32
      %lt3A_428 = arith.constant 128 : i32
      %lt3A_429 = arith.cmpi slt, %add3A_427, %lt3A_428 : i32
      %convert_element_type3A_430 = arith.extui %lt3A_429 : i1 to i32
      %cond3A_431 = arith.constant 0 : i32
      %cond3A_432 = arith.cmpi ne, %convert_element_type3A_430, %cond3A_431 : i32
      scf.if %cond3A_432 {
        %dma_wait3A_475 = arith.constant 1 : i32
        %dma_wait3A_476 = arith.constant 0 : i32
        %dma_wait3A_477 = arith.constant 0 : i32
        %dma_wait3A_478 = tpu.memref_slice %arg14[%dma_wait3A_475, %dma_wait3A_476, %dma_wait3A_477] : memref<3x8x4096xf32, #tpu.memory_space<vmem>> -> memref<1x8x4096xf32, #tpu.memory_space<vmem>>
        %dma_wait3A_479 = tpu.memref_squeeze %dma_wait3A_478 : memref<1x8x4096xf32, #tpu.memory_space<vmem>> -> memref<8x4096xf32, #tpu.memory_space<vmem>>
        %dma_wait3A_480 = arith.constant 0 : i32
        %dma_wait3A_481 = tpu.memref_slice %arg7[%mul3A_2, %dma_wait3A_480] : memref<32768x4096xf32, #tpu.memory_space<hbm>> -> memref<8x4096xf32, #tpu.memory_space<hbm>>
        %dma_wait3A_482 = arith.constant 0 : i32
        %dma_wait3A_483 = tpu.memref_slice %arg7[%mul3A_2, %dma_wait3A_482] : memref<32768x4096xf32, #tpu.memory_space<hbm>> -> memref<8x4096xf32, #tpu.memory_space<hbm>>
        %dma_wait3A_484 = arith.constant 0 : i32
        %dma_wait3A_485 = arith.constant 0 : i32
        %dma_wait3A_486 = tpu.memref_slice %arg14[%dma_wait3A_475, %dma_wait3A_484, %dma_wait3A_485] : memref<3x8x4096xf32, #tpu.memory_space<vmem>> -> memref<1x8x4096xf32, #tpu.memory_space<vmem>>
        %dma_wait3A_487 = tpu.memref_squeeze %dma_wait3A_486 : memref<1x8x4096xf32, #tpu.memory_space<vmem>> -> memref<8x4096xf32, #tpu.memory_space<vmem>>
        tpu.wait_dma2 semaphore(%arg21 : memref<!tpu.dma_semaphore, #tpu.memory_space<semaphore_mem>>) src(%dma_wait3A_487 : memref<8x4096xf32, #tpu.memory_space<vmem>>) dst(%dma_wait3A_483 : memref<8x4096xf32, #tpu.memory_space<hbm>>)
        %add3A_488 = arith.constant 3 : i32
        %add3A_489 = arith.addi %add3A_394, %add3A_488 : i32
        %mul3A_490 = arith.constant 8 : i32
        %mul3A_491 = arith.muli %add3A_489, %mul3A_490 : i32
        %dma_start3A_492 = arith.constant 1 : i32
        %dma_start3A_493 = arith.constant 0 : i32
        %dma_start3A_494 = arith.constant 0 : i32
        %dma_start3A_495 = tpu.memref_slice %arg14[%dma_start3A_492, %dma_start3A_493, %dma_start3A_494] : memref<3x8x4096xf32, #tpu.memory_space<vmem>> -> memref<1x8x4096xf32, #tpu.memory_space<vmem>>
        %dma_start3A_496 = tpu.memref_squeeze %dma_start3A_495 : memref<1x8x4096xf32, #tpu.memory_space<vmem>> -> memref<8x4096xf32, #tpu.memory_space<vmem>>
        %dma_start3A_497 = tpu.memref_slice %arg9[%mul3A_491] : memref<1024xi32, #tpu.memory_space<vmem>> -> memref<8xi32, #tpu.memory_space<vmem>>
        %dma_start3A_498 = arith.constant 0 : i32
        %dma_start3A_499 = arith.constant 0 : i32
        %dma_start3A_500 = tpu.memref_slice %arg2[%dma_start3A_498, %dma_start3A_499] : memref<4096x4096xf32, #tpu.memory_space<hbm>> -> memref<4096x4096xf32, #tpu.memory_space<hbm>>
        tpu.enqueue_indirect_dma source(%dma_start3A_500 : memref<4096x4096xf32, #tpu.memory_space<hbm>>) target(%dma_start3A_496 : memref<8x4096xf32, #tpu.memory_space<vmem>>) offsets(%dma_start3A_497 : memref<8xi32, #tpu.memory_space<vmem>>) semaphore(%arg18 : memref<!tpu.dma_semaphore, #tpu.memory_space<semaphore_mem>>)
      } else {
      }
      %mul3A_433 = arith.constant 3 : i32
      %mul3A_434 = arith.muli %scan3A_351, %mul3A_433 : i32
      %add3A_435 = arith.constant 2 : i32
      %add3A_436 = arith.addi %mul3A_434, %add3A_435 : i32
      %dma_wait3A_437 = arith.constant 2 : i32
      %dma_wait3A_438 = arith.constant 0 : i32
      %dma_wait3A_439 = arith.constant 0 : i32
      %dma_wait3A_440 = tpu.memref_slice %arg14[%dma_wait3A_437, %dma_wait3A_438, %dma_wait3A_439] : memref<3x8x4096xf32, #tpu.memory_space<vmem>> -> memref<1x8x4096xf32, #tpu.memory_space<vmem>>
      %dma_wait3A_441 = tpu.memref_squeeze %dma_wait3A_440 : memref<1x8x4096xf32, #tpu.memory_space<vmem>> -> memref<8x4096xf32, #tpu.memory_space<vmem>>
      %dma_wait3A_442 = arith.constant 0 : i32
      %dma_wait3A_443 = arith.constant 0 : i32
      %dma_wait3A_444 = tpu.memref_slice %arg2[%dma_wait3A_442, %dma_wait3A_443] : memref<4096x4096xf32, #tpu.memory_space<hbm>> -> memref<8x4096xf32, #tpu.memory_space<hbm>>
      %dma_wait3A_445 = arith.constant 0 : i32
      %dma_wait3A_446 = arith.constant 0 : i32
      %dma_wait3A_447 = tpu.memref_slice %arg14[%dma_wait3A_437, %dma_wait3A_445, %dma_wait3A_446] : memref<3x8x4096xf32, #tpu.memory_space<vmem>> -> memref<1x8x4096xf32, #tpu.memory_space<vmem>>
      %dma_wait3A_448 = tpu.memref_squeeze %dma_wait3A_447 : memref<1x8x4096xf32, #tpu.memory_space<vmem>> -> memref<8x4096xf32, #tpu.memory_space<vmem>>
      %dma_wait3A_449 = arith.constant 0 : i32
      %dma_wait3A_450 = arith.constant 0 : i32
      %dma_wait3A_451 = tpu.memref_slice %arg2[%dma_wait3A_449, %dma_wait3A_450] : memref<4096x4096xf32, #tpu.memory_space<hbm>> -> memref<8x4096xf32, #tpu.memory_space<hbm>>
      tpu.wait_dma2 semaphore(%arg19 : memref<!tpu.dma_semaphore, #tpu.memory_space<semaphore_mem>>) src(%dma_wait3A_451 : memref<8x4096xf32, #tpu.memory_space<hbm>>) dst(%dma_wait3A_448 : memref<8x4096xf32, #tpu.memory_space<vmem>>)
      %mul3A_452 = arith.constant 8 : i32
      %mul3A_453 = arith.muli %add3A_436, %mul3A_452 : i32
      %add3A_454 = arith.addi %mul3A_2, %mul3A_453 : i32
      %dma_start3A_455 = arith.constant 2 : i32
      %dma_start3A_456 = arith.constant 0 : i32
      %dma_start3A_457 = arith.constant 0 : i32
      %dma_start3A_458 = tpu.memref_slice %arg14[%dma_start3A_455, %dma_start3A_456, %dma_start3A_457] : memref<3x8x4096xf32, #tpu.memory_space<vmem>> -> memref<1x8x4096xf32, #tpu.memory_space<vmem>>
      %dma_start3A_459 = tpu.memref_squeeze %dma_start3A_458 : memref<1x8x4096xf32, #tpu.memory_space<vmem>> -> memref<8x4096xf32, #tpu.memory_space<vmem>>
      %dma_start3A_460 = arith.constant 0 : i32
      %dma_start3A_461 = tpu.memref_slice %arg7[%add3A_454, %dma_start3A_460] : memref<32768x4096xf32, #tpu.memory_space<hbm>> -> memref<8x4096xf32, #tpu.memory_space<hbm>>
      %dma_start3A_462 = arith.constant 0 : i32
      %dma_start3A_463 = tpu.memref_slice %arg7[%add3A_454, %dma_start3A_462] : memref<32768x4096xf32, #tpu.memory_space<hbm>> -> memref<8x4096xf32, #tpu.memory_space<hbm>>
      %dma_start3A_464 = arith.constant 0 : i32
      %dma_start3A_465 = arith.constant 0 : i32
      %dma_start3A_466 = tpu.memref_slice %arg14[%dma_start3A_455, %dma_start3A_464, %dma_start3A_465] : memref<3x8x4096xf32, #tpu.memory_space<vmem>> -> memref<1x8x4096xf32, #tpu.memory_space<vmem>>
      %dma_start3A_467 = tpu.memref_squeeze %dma_start3A_466 : memref<1x8x4096xf32, #tpu.memory_space<vmem>> -> memref<8x4096xf32, #tpu.memory_space<vmem>>
      tpu.enqueue_dma source(%dma_start3A_467 : memref<8x4096xf32, #tpu.memory_space<vmem>>) target(%dma_start3A_463 : memref<8x4096xf32, #tpu.memory_space<hbm>>) target_semaphore(%arg22 : memref<!tpu.dma_semaphore, #tpu.memory_space<semaphore_mem>>)
      %add3A_468 = arith.constant 3 : i32
      %add3A_469 = arith.addi %add3A_436, %add3A_468 : i32
      %lt3A_470 = arith.constant 128 : i32
      %lt3A_471 = arith.cmpi slt, %add3A_469, %lt3A_470 : i32
      %convert_element_type3A_472 = arith.extui %lt3A_471 : i1 to i32
      %cond3A_473 = arith.constant 0 : i32
      %cond3A_474 = arith.cmpi ne, %convert_element_type3A_472, %cond3A_473 : i32
      scf.if %cond3A_474 {
        %dma_wait3A_475 = arith.constant 2 : i32
        %dma_wait3A_476 = arith.constant 0 : i32
        %dma_wait3A_477 = arith.constant 0 : i32
        %dma_wait3A_478 = tpu.memref_slice %arg14[%dma_wait3A_475, %dma_wait3A_476, %dma_wait3A_477] : memref<3x8x4096xf32, #tpu.memory_space<vmem>> -> memref<1x8x4096xf32, #tpu.memory_space<vmem>>
        %dma_wait3A_479 = tpu.memref_squeeze %dma_wait3A_478 : memref<1x8x4096xf32, #tpu.memory_space<vmem>> -> memref<8x4096xf32, #tpu.memory_space<vmem>>
        %dma_wait3A_480 = arith.constant 0 : i32
        %dma_wait3A_481 = tpu.memref_slice %arg7[%mul3A_2, %dma_wait3A_480] : memref<32768x4096xf32, #tpu.memory_space<hbm>> -> memref<8x4096xf32, #tpu.memory_space<hbm>>
        %dma_wait3A_482 = arith.constant 0 : i32
        %dma_wait3A_483 = tpu.memref_slice %arg7[%mul3A_2, %dma_wait3A_482] : memref<32768x4096xf32, #tpu.memory_space<hbm>> -> memref<8x4096xf32, #tpu.memory_space<hbm>>
        %dma_wait3A_484 = arith.constant 0 : i32
        %dma_wait3A_485 = arith.constant 0 : i32
        %dma_wait3A_486 = tpu.memref_slice %arg14[%dma_wait3A_475, %dma_wait3A_484, %dma_wait3A_485] : memref<3x8x4096xf32, #tpu.memory_space<vmem>> -> memref<1x8x4096xf32, #tpu.memory_space<vmem>>
        %dma_wait3A_487 = tpu.memref_squeeze %dma_wait3A_486 : memref<1x8x4096xf32, #tpu.memory_space<vmem>> -> memref<8x4096xf32, #tpu.memory_space<vmem>>
        tpu.wait_dma2 semaphore(%arg22 : memref<!tpu.dma_semaphore, #tpu.memory_space<semaphore_mem>>) src(%dma_wait3A_487 : memref<8x4096xf32, #tpu.memory_space<vmem>>) dst(%dma_wait3A_483 : memref<8x4096xf32, #tpu.memory_space<hbm>>)
        %add3A_488 = arith.constant 3 : i32
        %add3A_489 = arith.addi %add3A_436, %add3A_488 : i32
        %mul3A_490 = arith.constant 8 : i32
        %mul3A_491 = arith.muli %add3A_489, %mul3A_490 : i32
        %dma_start3A_492 = arith.constant 2 : i32
        %dma_start3A_493 = arith.constant 0 : i32
        %dma_start3A_494 = arith.constant 0 : i32
        %dma_start3A_495 = tpu.memref_slice %arg14[%dma_start3A_492, %dma_start3A_493, %dma_start3A_494] : memref<3x8x4096xf32, #tpu.memory_space<vmem>> -> memref<1x8x4096xf32, #tpu.memory_space<vmem>>
        %dma_start3A_496 = tpu.memref_squeeze %dma_start3A_495 : memref<1x8x4096xf32, #tpu.memory_space<vmem>> -> memref<8x4096xf32, #tpu.memory_space<vmem>>
        %dma_start3A_497 = tpu.memref_slice %arg9[%mul3A_491] : memref<1024xi32, #tpu.memory_space<vmem>> -> memref<8xi32, #tpu.memory_space<vmem>>
        %dma_start3A_498 = arith.constant 0 : i32
        %dma_start3A_499 = arith.constant 0 : i32
        %dma_start3A_500 = tpu.memref_slice %arg2[%dma_start3A_498, %dma_start3A_499] : memref<4096x4096xf32, #tpu.memory_space<hbm>> -> memref<4096x4096xf32, #tpu.memory_space<hbm>>
        tpu.enqueue_indirect_dma source(%dma_start3A_500 : memref<4096x4096xf32, #tpu.memory_space<hbm>>) target(%dma_start3A_496 : memref<8x4096xf32, #tpu.memory_space<vmem>>) offsets(%dma_start3A_497 : memref<8xi32, #tpu.memory_space<vmem>>) semaphore(%arg19 : memref<!tpu.dma_semaphore, #tpu.memory_space<semaphore_mem>>)
      } else {
      }
    }
    %scan3A_251 = arith.constant 42 : i32
    %dma_wait3A_252 = arith.constant 0 : i32
    %dma_wait3A_253 = arith.constant 0 : i32
    %dma_wait3A_254 = arith.constant 0 : i32
    %dma_wait3A_255 = tpu.memref_slice %arg14[%dma_wait3A_252, %dma_wait3A_253, %dma_wait3A_254] : memref<3x8x4096xf32, #tpu.memory_space<vmem>> -> memref<1x8x4096xf32, #tpu.memory_space<vmem>>
    %dma_wait3A_256 = tpu.memref_squeeze %dma_wait3A_255 : memref<1x8x4096xf32, #tpu.memory_space<vmem>> -> memref<8x4096xf32, #tpu.memory_space<vmem>>
    %dma_wait3A_257 = arith.constant 0 : i32
    %dma_wait3A_258 = arith.constant 0 : i32
    %dma_wait3A_259 = tpu.memref_slice %arg2[%dma_wait3A_257, %dma_wait3A_258] : memref<4096x4096xf32, #tpu.memory_space<hbm>> -> memref<8x4096xf32, #tpu.memory_space<hbm>>
    %dma_wait3A_260 = arith.constant 0 : i32
    %dma_wait3A_261 = arith.constant 0 : i32
    %dma_wait3A_262 = tpu.memref_slice %arg14[%dma_wait3A_252, %dma_wait3A_260, %dma_wait3A_261] : memref<3x8x4096xf32, #tpu.memory_space<vmem>> -> memref<1x8x4096xf32, #tpu.memory_space<vmem>>
    %dma_wait3A_263 = tpu.memref_squeeze %dma_wait3A_262 : memref<1x8x4096xf32, #tpu.memory_space<vmem>> -> memref<8x4096xf32, #tpu.memory_space<vmem>>
    %dma_wait3A_264 = arith.constant 0 : i32
    %dma_wait3A_265 = arith.constant 0 : i32
    %dma_wait3A_266 = tpu.memref_slice %arg2[%dma_wait3A_264, %dma_wait3A_265] : memref<4096x4096xf32, #tpu.memory_space<hbm>> -> memref<8x4096xf32, #tpu.memory_space<hbm>>
    tpu.wait_dma2 semaphore(%arg17 : memref<!tpu.dma_semaphore, #tpu.memory_space<semaphore_mem>>) src(%dma_wait3A_266 : memref<8x4096xf32, #tpu.memory_space<hbm>>) dst(%dma_wait3A_263 : memref<8x4096xf32, #tpu.memory_space<vmem>>)
    %add3A_267 = arith.constant 1008 : i32
    %add3A_268 = arith.addi %mul3A_2, %add3A_267 : i32
    %dma_start3A_269 = arith.constant 0 : i32
    %dma_start3A_270 = arith.constant 0 : i32
    %dma_start3A_271 = arith.constant 0 : i32
    %dma_start3A_272 = tpu.memref_slice %arg14[%dma_start3A_269, %dma_start3A_270, %dma_start3A_271] : memref<3x8x4096xf32, #tpu.memory_space<vmem>> -> memref<1x8x4096xf32, #tpu.memory_space<vmem>>
    %dma_start3A_273 = tpu.memref_squeeze %dma_start3A_272 : memref<1x8x4096xf32, #tpu.memory_space<vmem>> -> memref<8x4096xf32, #tpu.memory_space<vmem>>
    %dma_start3A_274 = arith.constant 0 : i32
    %dma_start3A_275 = tpu.memref_slice %arg7[%add3A_268, %dma_start3A_274] : memref<32768x4096xf32, #tpu.memory_space<hbm>> -> memref<8x4096xf32, #tpu.memory_space<hbm>>
    %dma_start3A_276 = arith.constant 0 : i32
    %dma_start3A_277 = tpu.memref_slice %arg7[%add3A_268, %dma_start3A_276] : memref<32768x4096xf32, #tpu.memory_space<hbm>> -> memref<8x4096xf32, #tpu.memory_space<hbm>>
    %dma_start3A_278 = arith.constant 0 : i32
    %dma_start3A_279 = arith.constant 0 : i32
    %dma_start3A_280 = tpu.memref_slice %arg14[%dma_start3A_269, %dma_start3A_278, %dma_start3A_279] : memref<3x8x4096xf32, #tpu.memory_space<vmem>> -> memref<1x8x4096xf32, #tpu.memory_space<vmem>>
    %dma_start3A_281 = tpu.memref_squeeze %dma_start3A_280 : memref<1x8x4096xf32, #tpu.memory_space<vmem>> -> memref<8x4096xf32, #tpu.memory_space<vmem>>
    tpu.enqueue_dma source(%dma_start3A_281 : memref<8x4096xf32, #tpu.memory_space<vmem>>) target(%dma_start3A_277 : memref<8x4096xf32, #tpu.memory_space<hbm>>) target_semaphore(%arg20 : memref<!tpu.dma_semaphore, #tpu.memory_space<semaphore_mem>>)
    %dma_wait3A_282 = arith.constant 1 : i32
    %dma_wait3A_283 = arith.constant 0 : i32
    %dma_wait3A_284 = arith.constant 0 : i32
    %dma_wait3A_285 = tpu.memref_slice %arg14[%dma_wait3A_282, %dma_wait3A_283, %dma_wait3A_284] : memref<3x8x4096xf32, #tpu.memory_space<vmem>> -> memref<1x8x4096xf32, #tpu.memory_space<vmem>>
    %dma_wait3A_286 = tpu.memref_squeeze %dma_wait3A_285 : memref<1x8x4096xf32, #tpu.memory_space<vmem>> -> memref<8x4096xf32, #tpu.memory_space<vmem>>
    %dma_wait3A_287 = arith.constant 0 : i32
    %dma_wait3A_288 = arith.constant 0 : i32
    %dma_wait3A_289 = tpu.memref_slice %arg2[%dma_wait3A_287, %dma_wait3A_288] : memref<4096x4096xf32, #tpu.memory_space<hbm>> -> memref<8x4096xf32, #tpu.memory_space<hbm>>
    %dma_wait3A_290 = arith.constant 0 : i32
    %dma_wait3A_291 = arith.constant 0 : i32
    %dma_wait3A_292 = tpu.memref_slice %arg14[%dma_wait3A_282, %dma_wait3A_290, %dma_wait3A_291] : memref<3x8x4096xf32, #tpu.memory_space<vmem>> -> memref<1x8x4096xf32, #tpu.memory_space<vmem>>
    %dma_wait3A_293 = tpu.memref_squeeze %dma_wait3A_292 : memref<1x8x4096xf32, #tpu.memory_space<vmem>> -> memref<8x4096xf32, #tpu.memory_space<vmem>>
    %dma_wait3A_294 = arith.constant 0 : i32
    %dma_wait3A_295 = arith.constant 0 : i32
    %dma_wait3A_296 = tpu.memref_slice %arg2[%dma_wait3A_294, %dma_wait3A_295] : memref<4096x4096xf32, #tpu.memory_space<hbm>> -> memref<8x4096xf32, #tpu.memory_space<hbm>>
    tpu.wait_dma2 semaphore(%arg18 : memref<!tpu.dma_semaphore, #tpu.memory_space<semaphore_mem>>) src(%dma_wait3A_296 : memref<8x4096xf32, #tpu.memory_space<hbm>>) dst(%dma_wait3A_293 : memref<8x4096xf32, #tpu.memory_space<vmem>>)
    %add3A_297 = arith.constant 1016 : i32
    %add3A_298 = arith.addi %mul3A_2, %add3A_297 : i32
    %dma_start3A_299 = arith.constant 1 : i32
    %dma_start3A_300 = arith.constant 0 : i32
    %dma_start3A_301 = arith.constant 0 : i32
    %dma_start3A_302 = tpu.memref_slice %arg14[%dma_start3A_299, %dma_start3A_300, %dma_start3A_301] : memref<3x8x4096xf32, #tpu.memory_space<vmem>> -> memref<1x8x4096xf32, #tpu.memory_space<vmem>>
    %dma_start3A_303 = tpu.memref_squeeze %dma_start3A_302 : memref<1x8x4096xf32, #tpu.memory_space<vmem>> -> memref<8x4096xf32, #tpu.memory_space<vmem>>
    %dma_start3A_304 = arith.constant 0 : i32
    %dma_start3A_305 = tpu.memref_slice %arg7[%add3A_298, %dma_start3A_304] : memref<32768x4096xf32, #tpu.memory_space<hbm>> -> memref<8x4096xf32, #tpu.memory_space<hbm>>
    %dma_start3A_306 = arith.constant 0 : i32
    %dma_start3A_307 = tpu.memref_slice %arg7[%add3A_298, %dma_start3A_306] : memref<32768x4096xf32, #tpu.memory_space<hbm>> -> memref<8x4096xf32, #tpu.memory_space<hbm>>
    %dma_start3A_308 = arith.constant 0 : i32
    %dma_start3A_309 = arith.constant 0 : i32
    %dma_start3A_310 = tpu.memref_slice %arg14[%dma_start3A_299, %dma_start3A_308, %dma_start3A_309] : memref<3x8x4096xf32, #tpu.memory_space<vmem>> -> memref<1x8x4096xf32, #tpu.memory_space<vmem>>
    %dma_start3A_311 = tpu.memref_squeeze %dma_start3A_310 : memref<1x8x4096xf32, #tpu.memory_space<vmem>> -> memref<8x4096xf32, #tpu.memory_space<vmem>>
    tpu.enqueue_dma source(%dma_start3A_311 : memref<8x4096xf32, #tpu.memory_space<vmem>>) target(%dma_start3A_307 : memref<8x4096xf32, #tpu.memory_space<hbm>>) target_semaphore(%arg21 : memref<!tpu.dma_semaphore, #tpu.memory_space<semaphore_mem>>)
    %dma_wait3A_312 = arith.constant 0 : i32
    %dma_wait3A_313 = arith.constant 0 : i32
    %dma_wait3A_314 = arith.constant 0 : i32
    %dma_wait3A_315 = tpu.memref_slice %arg14[%dma_wait3A_312, %dma_wait3A_313, %dma_wait3A_314] : memref<3x8x4096xf32, #tpu.memory_space<vmem>> -> memref<1x8x4096xf32, #tpu.memory_space<vmem>>
    %dma_wait3A_316 = tpu.memref_squeeze %dma_wait3A_315 : memref<1x8x4096xf32, #tpu.memory_space<vmem>> -> memref<8x4096xf32, #tpu.memory_space<vmem>>
    %dma_wait3A_317 = arith.constant 0 : i32
    %dma_wait3A_318 = tpu.memref_slice %arg7[%mul3A_2, %dma_wait3A_317] : memref<32768x4096xf32, #tpu.memory_space<hbm>> -> memref<8x4096xf32, #tpu.memory_space<hbm>>
    %dma_wait3A_319 = arith.constant 0 : i32
    %dma_wait3A_320 = tpu.memref_slice %arg7[%mul3A_2, %dma_wait3A_319] : memref<32768x4096xf32, #tpu.memory_space<hbm>> -> memref<8x4096xf32, #tpu.memory_space<hbm>>
    %dma_wait3A_321 = arith.constant 0 : i32
    %dma_wait3A_322 = arith.constant 0 : i32
    %dma_wait3A_323 = tpu.memref_slice %arg14[%dma_wait3A_312, %dma_wait3A_321, %dma_wait3A_322] : memref<3x8x4096xf32, #tpu.memory_space<vmem>> -> memref<1x8x4096xf32, #tpu.memory_space<vmem>>
    %dma_wait3A_324 = tpu.memref_squeeze %dma_wait3A_323 : memref<1x8x4096xf32, #tpu.memory_space<vmem>> -> memref<8x4096xf32, #tpu.memory_space<vmem>>
    tpu.wait_dma2 semaphore(%arg20 : memref<!tpu.dma_semaphore, #tpu.memory_space<semaphore_mem>>) src(%dma_wait3A_324 : memref<8x4096xf32, #tpu.memory_space<vmem>>) dst(%dma_wait3A_320 : memref<8x4096xf32, #tpu.memory_space<hbm>>)
    %dma_wait3A_325 = arith.constant 1 : i32
    %dma_wait3A_326 = arith.constant 0 : i32
    %dma_wait3A_327 = arith.constant 0 : i32
    %dma_wait3A_328 = tpu.memref_slice %arg14[%dma_wait3A_325, %dma_wait3A_326, %dma_wait3A_327] : memref<3x8x4096xf32, #tpu.memory_space<vmem>> -> memref<1x8x4096xf32, #tpu.memory_space<vmem>>
    %dma_wait3A_329 = tpu.memref_squeeze %dma_wait3A_328 : memref<1x8x4096xf32, #tpu.memory_space<vmem>> -> memref<8x4096xf32, #tpu.memory_space<vmem>>
    %dma_wait3A_330 = arith.constant 0 : i32
    %dma_wait3A_331 = tpu.memref_slice %arg7[%mul3A_2, %dma_wait3A_330] : memref<32768x4096xf32, #tpu.memory_space<hbm>> -> memref<8x4096xf32, #tpu.memory_space<hbm>>
    %dma_wait3A_332 = arith.constant 0 : i32
    %dma_wait3A_333 = tpu.memref_slice %arg7[%mul3A_2, %dma_wait3A_332] : memref<32768x4096xf32, #tpu.memory_space<hbm>> -> memref<8x4096xf32, #tpu.memory_space<hbm>>
    %dma_wait3A_334 = arith.constant 0 : i32
    %dma_wait3A_335 = arith.constant 0 : i32
    %dma_wait3A_336 = tpu.memref_slice %arg14[%dma_wait3A_325, %dma_wait3A_334, %dma_wait3A_335] : memref<3x8x4096xf32, #tpu.memory_space<vmem>> -> memref<1x8x4096xf32, #tpu.memory_space<vmem>>
    %dma_wait3A_337 = tpu.memref_squeeze %dma_wait3A_336 : memref<1x8x4096xf32, #tpu.memory_space<vmem>> -> memref<8x4096xf32, #tpu.memory_space<vmem>>
    tpu.wait_dma2 semaphore(%arg21 : memref<!tpu.dma_semaphore, #tpu.memory_space<semaphore_mem>>) src(%dma_wait3A_337 : memref<8x4096xf32, #tpu.memory_space<vmem>>) dst(%dma_wait3A_333 : memref<8x4096xf32, #tpu.memory_space<hbm>>)
    %dma_wait3A_338 = arith.constant 2 : i32
    %dma_wait3A_339 = arith.constant 0 : i32
    %dma_wait3A_340 = arith.constant 0 : i32
    %dma_wait3A_341 = tpu.memref_slice %arg14[%dma_wait3A_338, %dma_wait3A_339, %dma_wait3A_340] : memref<3x8x4096xf32, #tpu.memory_space<vmem>> -> memref<1x8x4096xf32, #tpu.memory_space<vmem>>
    %dma_wait3A_342 = tpu.memref_squeeze %dma_wait3A_341 : memref<1x8x4096xf32, #tpu.memory_space<vmem>> -> memref<8x4096xf32, #tpu.memory_space<vmem>>
    %dma_wait3A_343 = arith.constant 0 : i32
    %dma_wait3A_344 = tpu.memref_slice %arg7[%mul3A_2, %dma_wait3A_343] : memref<32768x4096xf32, #tpu.memory_space<hbm>> -> memref<8x4096xf32, #tpu.memory_space<hbm>>
    %dma_wait3A_345 = arith.constant 0 : i32
    %dma_wait3A_346 = tpu.memref_slice %arg7[%mul3A_2, %dma_wait3A_345] : memref<32768x4096xf32, #tpu.memory_space<hbm>> -> memref<8x4096xf32, #tpu.memory_space<hbm>>
    %dma_wait3A_347 = arith.constant 0 : i32
    %dma_wait3A_348 = arith.constant 0 : i32
    %dma_wait3A_349 = tpu.memref_slice %arg14[%dma_wait3A_338, %dma_wait3A_347, %dma_wait3A_348] : memref<3x8x4096xf32, #tpu.memory_space<vmem>> -> memref<1x8x4096xf32, #tpu.memory_space<vmem>>
    %dma_wait3A_350 = tpu.memref_squeeze %dma_wait3A_349 : memref<1x8x4096xf32, #tpu.memory_space<vmem>> -> memref<8x4096xf32, #tpu.memory_space<vmem>>
    tpu.wait_dma2 semaphore(%arg22 : memref<!tpu.dma_semaphore, #tpu.memory_space<semaphore_mem>>) src(%dma_wait3A_350 : memref<8x4096xf32, #tpu.memory_space<vmem>>) dst(%dma_wait3A_346 : memref<8x4096xf32, #tpu.memory_space<hbm>>)
    return
  }
}

module attributes {stable_mosaic.version = 14 : i64} {
  func.func @_finalize_block(%arg0: memref<32x16xf32, #tpu.memory_space<vmem>>, %arg1: memref<1x1xf32, #tpu.memory_space<vmem>>) attributes {dimension_semantics = [], scalar_prefetch = 0 : i64, scratch_operands = 0 : i64, tpu.core_type = #tpu.core_type<tc>} {
    %get3A = arith.constant 0 : index
    %get3A_0 = arith.constant 0 : index
    %get3A_1 = vector.load %arg0[%get3A, %get3A_0] : memref<32x16xf32, #tpu.memory_space<vmem>>, vector<32x16xf32>
    %reduce_sum3A = vector.shape_cast %get3A_1 : vector<32x16xf32> to vector<1x32x16xf32>
    %reduce_sum3A_2 = arith.constant dense<0.000000e+00> : vector<1xf32>
    %reduce_sum3A_3 = vector.multi_reduction <add>, %reduce_sum3A, %reduce_sum3A_2 [1, 2] : vector<1x32x16xf32> to vector<1xf32>
    %reduce_sum3A_4 = vector.shape_cast %reduce_sum3A_3 : vector<1xf32> to vector<1x1x1xf32>
    %reduce_sum3A_5 = vector.extract %reduce_sum3A_4[0, 0, 0] : f32 from vector<1x1x1xf32>
    %reshape3A = vector.broadcast %reduce_sum3A_5 : f32 to vector<1x1xf32>
    %mul3A = arith.constant 3.05175781E-5 : f32
    %mul3A_6 = vector.broadcast %mul3A : f32 to vector<1x1xf32>
    %mul3A_7 = arith.mulf %reshape3A, %mul3A_6 : vector<1x1xf32>
    %swap3A = arith.constant 0 : index
    %swap3A_8 = arith.constant 0 : index
    %swap3A_9 = vector.load %arg1[%swap3A, %swap3A_8] : memref<1x1xf32, #tpu.memory_space<vmem>>, vector<1x1xf32>
    tpu.vector_store %arg1[%swap3A, %swap3A_8], %mul3A_7 {strides = array<i32>} : memref<1x1xf32, #tpu.memory_space<vmem>>, vector<1x1xf32>,
    return
  }
}

module attributes {stable_mosaic.version = 14 : i64} {
  func.func @_lse_block(%arg0: i32, %arg1: memref<256x4096xf32, #tpu.memory_space<vmem>>, %arg2: memref<1x4096xf32, #tpu.memory_space<vmem>>) attributes {dimension_semantics = [#tpu.dimension_semantics<arbitrary>], iteration_bounds = array<i64: 16>, scalar_prefetch = 0 : i64, scratch_operands = 0 : i64, tpu.core_type = #tpu.core_type<tc>, window_params = [{transform_indices = @transform_0, window_bounds = array<i64: 256, 4096>}, {pipeline_mode = #tpu.pipeline_mode<synchronous>, transform_indices = @transform_1, window_bounds = array<i64: 1, 4096>}]} {
    %get3A = arith.constant 0 : index
    %get3A_0 = arith.constant 0 : index
    %get3A_1 = vector.load %arg1[%get3A, %get3A_0] : memref<256x4096xf32, #tpu.memory_space<vmem>>, vector<256x4096xf32>
    %reduce_max3A = arith.constant dense<0xFF800000> : vector<256xf32>
    %reduce_max3A_2 = vector.multi_reduction <maximumf>, %get3A_1, %reduce_max3A [1] : vector<256x4096xf32> to vector<256xf32>
    %broadcast_in_dim3A = vector.shape_cast %reduce_max3A_2 : vector<256xf32> to vector<256x1xf32>
    %sub3A = vector.broadcast %broadcast_in_dim3A : vector<256x1xf32> to vector<256x4096xf32>
    %sub3A_3 = arith.subf %get3A_1, %sub3A : vector<256x4096xf32>
    %exp3A = math.exp %sub3A_3 : vector<256x4096xf32>
    %reduce_sum3A = arith.constant dense<0.000000e+00> : vector<256xf32>
    %reduce_sum3A_4 = vector.multi_reduction <add>, %exp3A, %reduce_sum3A [1] : vector<256x4096xf32> to vector<256xf32>
    %squeeze3A = vector.shape_cast %broadcast_in_dim3A : vector<256x1xf32> to vector<256xf32>
    %log3A = math.log %reduce_sum3A_4 : vector<256xf32>
    %add3A = arith.addf %squeeze3A, %log3A : vector<256xf32>
    %mul3A = arith.constant 256 : i32
    %mul3A_5 = arith.muli %arg0, %mul3A : i32
    %swap3A = arith.constant 0 : index
    %swap3A_6 = arith.index_cast %mul3A_5 : i32 to index
    %swap3A_7 = vector.load %arg2[%swap3A, %swap3A_6] : memref<1x4096xf32, #tpu.memory_space<vmem>>, vector<1x256xf32>
    %swap3A_8 = vector.shape_cast %swap3A_7 : vector<1x256xf32> to vector<256xf32>
    %swap3A_9 = vector.shape_cast %add3A : vector<256xf32> to vector<1x256xf32>
    tpu.vector_store %arg2[%swap3A, %swap3A_6], %swap3A_9 {strides = array<i32>} : memref<1x4096xf32, #tpu.memory_space<vmem>>, vector<1x256xf32>,
    return
  }
  func.func @transform_0(%arg0: i32) -> (i32, i32) {
    %c0_i32 = arith.constant 0 : i32
    %c0_i32_0 = arith.constant 0 : i32
    return %arg0, %c0_i32 : i32, i32
  }
  func.func @transform_1(%arg0: i32) -> (i32, i32) {
    %c0_i32 = arith.constant 0 : i32
    %c0_i32_0 = arith.constant 0 : i32
    %c0_i32_1 = arith.constant 0 : i32
    return %c0_i32, %c0_i32_0 : i32, i32
  }
}

</mosaic_0001>

<sc_bundles>
// kernel: kernel.5.cloned.1.call-start
scs
__scs_entry_jumppad:
0x0: {  	(pc) =	sbr.rel $0x88, $3  }
0x1: {  	(tag) =	ssettag $0x0;
	lr =	simm.s32 $0x1  }
0x2: {  	[smem:$0x3F9E] =	sst lr;
	_ =	strace $0xD0000000  }
0x3: {  	_ = 	snop  }
0x4: {  	_ = 	snop  }
0x5: {  	_ = 	snop  }
0x6: {  	_ = 	snop  }
0x7: {  	_ = 	snop  }
__scs_overlays_trampoline_lowered:
0x8: {  	[smem:$0x3FAD] =	sst s0  }
0x9: {  	[smem:$0x3FAE] =	sst s1  }
0xa: {  	[smem:$0x3FAF] =	sst s2  }
0xb: {  	[smem:$0x3FB0] =	sst s3  }
0xc: {  	[smem:$0x3FB1] =	sst s4  }
0xd: {  	[smem:$0x3FB2] =	sst s5  }
0xe: {  	[smem:$0x3FB3] =	sst s6  }
0xf: {  	[smem:$0x3FB4] =	sst s7  }
0x10: {  	[smem:$0x3FB5] =	sst s8  }
0x11: {  	[smem:$0x3FB6] =	sst s9;
	s0 =	simm.s32 @!p0 $0x0  }
0x12: {  	s1 =	sld [smem:$0x3F9C];
	s0 =	simm.s32 @p0 $0x1  }
0x13: {  	[smem:$0x3FB7] =	sst s0;
	s0 =	simm.s32 @!p1 $0x0  }
0x14: {  	s2 =	sld [smem:$0x3F9B];
	s0 =	simm.s32 @p1 $0x1  }
0x15: {  	[smem:$0x3FB8] =	sst s0;
	s0 =	simm.s32 @!p2 $0x0  }
0x16: {  	s3 =	sld [smem:$0x3FDB];
	s0 =	simm.s32 @p2 $0x1  }
0x17: {  	s4 =	simm.s32 $0x1BF5;
	[smem:$0x3FBA] =	sst s0  }
0x18: {  	s0 =	sld [smem:$0x3F9D];
	_ =	swait.ge [sflag:s4], $0x0  }
0x19: {  	s7 =	sld [smem:$0x3F9E]  }
0x1a: {  	s8 =	sadd.s32 $0xFFFFE003, lr  }
0x1b: {  	s9 =	sadd.s32 $0xFFFFFEF7, lr;
	s5 =	simm.s32 $0xFFFFFFFF;
	p2 =	slt.u32 s8, $0xFFFFF086  }
0x1c: {  	p1 =	slt.u32 s9, $0xF7A;
	s5 =	simm.s32 @!p2 $0x0  }
0x1d: {  	s5 =	simm.s32 @p1 $0x1;
	p0 =	seq.s32 s7, s2  }
0x1e: {  	s7 =	smul.u32 @!p0 $0xF7A, s2;
	p2 =	seq.s32 @!p0 s5, $0x0  }
0x1f: {  	s9 =	smul.u32 $0xF7A, s1;
	s8 =	simm.s32 @!p0 $0x1BF5;
	p2 =	por !p2, p0  }
0x20: {  	[sflag:s8] =	ssyncset.s32 @!p0 $0xFFFFF086;
	s6 =	sadd.s32 @!p0 s3, s7;
	s7 =	simm.s32 @!p0 $0x108  }
0x21: {  	s3 =	sadd.s32 s3, s9;
	s6 =	sadd.s32 @!p0 $0x88, s6;
	s7 =	simm.s32 @p2 $0x1082  }
0x22: {  	[simem:s7], [sflag:s8] =	dma.local @!p0 [hbm:s6], $0xF7A  }
0x23: {  	s9 =	sor.u32 $0xD0000000, s2;
	s6 =	simm.s32 $0x108;
	_ =	swait.ge @!p0 [sflag:s8], $0x0  }
0x24: {  	s3 =	sadd.s32 $0x88, s3;
	s6 =	simm.s32 @!p1 $0x1082;
	[sflag:s4] =	ssyncset.s32 $0xFFFFF086  }
0x25: {  	[simem:s6], [sflag:s4] =	dma.local [hbm:s3], $0xF7A  }
0x26: {  	[smem:$0x3F9E] =	sst s1;
	(tag) =	ssettag s2;
	_ =	strace s9  }
0x27: {  	s1 =	sld [smem:$0x3FAE]  }
0x28: {  	s2 =	sld [smem:$0x3FAF]  }
0x29: {  	s4 =	sld [smem:$0x3FB1]  }
0x2a: {  	p0 =	seq.s32 s5, $0x0;
	s5 =	sld [smem:$0x3FB2]  }
0x2b: {  	s6 =	sld [smem:$0x3FB3]  }
0x2c: {  	s7 =	sld [smem:$0x3FB4]  }
0x2d: {  	s3 =	simm.s32 $0x108;
	s8 =	sld [smem:$0x3FB5]  }
0x2e: {  	s3 =	simm.s32 @!p0 $0x1082;
	s9 =	sld [smem:$0x3FB6]  }
0x2f: {  	lr =	sadd.s32 s0, s3;
	s0 =	sld [smem:$0x3FAD]  }
0x30: {  	s3 =	sld [smem:$0x3FB0]  }
0x31: {  	[smem:$0x3FB9] =	sst s10  }
0x32: {  	s10 =	sld [smem:$0x3FB7];
	_ =	sdelay $0x3  }
0x33: {  	p0 =	seq.s32 s10, $0x1;
	s10 =	sld [smem:$0x3FB9];
	_ =	sdelay $0x3  }
0x34: {  	[smem:$0x3FB9] =	sst s10  }
0x35: {  	s10 =	sld [smem:$0x3FB8];
	_ =	sdelay $0x3  }
0x36: {  	p1 =	seq.s32 s10, $0x1;
	s10 =	sld [smem:$0x3FB9];
	_ =	sdelay $0x3  }
0x37: {  	[smem:$0x3FB9] =	sst s10  }
0x38: {  	s10 =	sld [smem:$0x3FBA]  }
0x39: {  	_ = 	snop;
	(pc) =	sbr.ind lr, $3  }
0x3a: {  	_ = 	snop  }
0x3b: {  	_ = 	snop  }
0x3c: {  	p2 =	seq.s32 s10, $0x1;
	s10 =	sld [smem:$0x3FB9]  }
0x3d: {  	_ =	shalt  }
0x3e: {  	_ =	shalt  }
0x3f: {  	_ =	shalt  }
0x40: {  	_ =	shalt  }
0x41: {  	_ =	shalt  }
0x42: {  	_ =	shalt  }
0x43: {  	_ =	shalt  }
0x44: {  	_ =	shalt  }
0x45: {  	_ =	shalt  }
0x46: {  	_ =	shalt  }
0x47: {  	_ =	shalt  }
0x48: {  	_ =	shalt  }
0x49: {  	_ =	shalt  }
0x4a: {  	_ =	shalt  }
0x4b: {  	_ =	shalt  }
0x4c: {  	_ =	shalt  }
0x4d: {  	_ =	shalt  }
0x4e: {  	_ =	shalt  }
0x4f: {  	_ =	shalt  }
0x50: {  	_ =	shalt  }
0x51: {  	_ =	shalt  }
0x52: {  	_ =	shalt  }
0x53: {  	_ =	shalt  }
0x54: {  	_ =	shalt  }
0x55: {  	_ =	shalt  }
0x56: {  	_ =	shalt  }
0x57: {  	_ =	shalt  }
0x58: {  	_ =	shalt  }
0x59: {  	_ =	shalt  }
0x5a: {  	_ =	shalt  }
0x5b: {  	_ =	shalt  }
0x5c: {  	_ =	shalt  }
0x5d: {  	_ =	shalt  }
0x5e: {  	_ =	shalt  }
0x5f: {  	_ =	shalt  }
0x60: {  	_ =	shalt  }
0x61: {  	_ =	shalt  }
0x62: {  	_ =	shalt  }
0x63: {  	_ =	shalt  }
0x64: {  	_ =	shalt  }
0x65: {  	_ =	shalt  }
0x66: {  	_ =	shalt  }
0x67: {  	_ =	shalt  }
0x68: {  	_ =	shalt  }
0x69: {  	_ =	shalt  }
0x6a: {  	_ =	shalt  }
0x6b: {  	_ =	shalt  }
0x6c: {  	_ =	shalt  }
0x6d: {  	_ =	shalt  }
0x6e: {  	_ =	shalt  }
0x6f: {  	_ =	shalt  }
0x70: {  	_ =	shalt  }
0x71: {  	_ =	shalt  }
0x72: {  	_ =	shalt  }
0x73: {  	_ =	shalt  }
0x74: {  	_ =	shalt  }
0x75: {  	_ =	shalt  }
0x76: {  	_ =	shalt  }
0x77: {  	_ =	shalt  }
0x78: {  	_ =	shalt  }
0x79: {  	_ =	shalt  }
0x7a: {  	_ =	shalt  }
0x7b: {  	_ =	shalt  }
0x7c: {  	_ =	shalt  }
0x7d: {  	_ =	shalt  }
0x7e: {  	_ =	shalt  }
0x7f: {  	_ =	shalt  }
0x80: {  	_ =	shalt  }
0x81: {  	_ =	shalt  }
0x82: {  	_ =	shalt  }
0x83: {  	_ =	shalt  }
0x84: {  	_ =	shalt  }
0x85: {  	_ =	shalt  }
0x86: {  	_ =	shalt  }
0x87: {  	_ =	shalt  }
.Lfunc_end0:
.L_simem_size_0:
called_computation.1_lowered:
.L_overlay_start_0:
0x88: {  	s2 =	sld [smem:$0x3FD9]  }
0x89: {  	s3 =	sld [smem:$0x3FFE];
	_ =	sdelay $0x1  }
0x8a: {  	s1 =	srdreg.scid  }
0x8b: {  	s0 =	sand.u32 $0x1, s1  }
0x8c: {  	s14 =	sshll.u32 s0, $0xA;
	s2 =	sadd.s32 s3, s2  }
0x8d: {  	s2 =	sadd.s32 s2, s14  }
0x8e: {  	[smem:$0x3FC5] =	sst s2  }
0x8f: {  	_ = 	snop  }
0x90: {  	s2 =	sld [smem:$0x3FD0];
	_ =	sdelay $0x2  }
0x91: {  	s4 =	simm.s32 $0xA;
	s5 =	simm.s32 $0x10;
	s15 =	sld [smem:$0x3FC7]  }
0x92: {  	[smem:s5], [sflag:s4] =	dma.local [hbm:s2], $0x1  }
0x93: {  	_ =	swait.eq [sflag:s4], $0x1  }
0x94: {  	[sflag:s4] =	ssyncset.done $0x0  }
0x95: {  	[sflag:s4] =	ssyncadd.s32 $0xFFFFFFFF  }
0x96: {  	s16 =	sld [smem:$0x10];
	(tm) =	ssettm $0x1  }
0x97: {  	s17 =	sld [smem:$0x3FFB];
	_ =	sdelay $0x3  }
0x98: {  	_ =	strace s17  }
0x99: {  	s4 =	sld [smem:$0x3FFC];
	_ =	sdelay $0x3  }
0x9a: {  	_ =	strace s4  }
0x9b: {  	s4 =	sld [smem:$0x3FFD];
	_ =	sdelay $0x3  }
0x9c: {  	_ =	strace s4  }
0x9d: {  	_ =	strace $0x8FFFFFFF  }
0x9e: {  	s18 =	sld [smem:$0x3FDB];
	_ =	sdelay $0x1  }
0x9f: {  	s19 =	simm.s32 $_scs_section_size  }
0xa0: {  	s6 =	simm.s32 $_size__tile_overlayer_lowered;
	s7 =	simm.s32 $_tile_overlayer_lowered  }
0xa1: {  	s22 =	simm.s32 $0x1BFF;
	s21 =	sshll.u32 s7, $0x1;
	s4 =	sadd.s32 s19, s18  }
0xa2: {  	s8 =	simm.s32 $0x0;
	s20 =	sshll.u32 s6, $0x1;
	s6 =	sadd.s32 s21, s4  }
0xa3: {  	[timem:s8], [sflag:s22] =	dma.local [hbm:s6], s20  }
0xa4: {  	_ =	swait.ge [sflag:s22], s20  }
0xa5: {  	s5 =	ssub.s32 $0x0, s20;
	[sflag:s22] =	ssyncset.done $0x0  }
0xa6: {  	[sflag:s22] =	ssyncadd.s32 s5;
	_ =	sdelay $0x1  }
0xa7: {  	s23 =	simm.s32 $0x1B8B  }
0xa8: {  	_ =	swait.ge [sflag:s23], $0x1  }
0xa9: {  	[sflag:s23] =	ssyncset.done $0x0  }
0xaa: {  	s25 =	simm.s32 $0x1B8E;
	s24 =	sld [smem:$0x3FFE];
	[sflag:s23] =	ssyncadd.s32 $0xFFFFFFFF  }
0xab: {  	s26 =	simm.s32 $execute0_lowered;
	[smem:$0x3FD2] =	sst s25  }
0xac: {  	s6 =	sshll.u32 s26, $0x1;
	_ =	strace $0x80000049;
	[dreg:$0x1] =	wrdreg $0xFFFFFFFF  }
0xad: {  	s28 =	simm.s32 $_size_execute0_lowered;
	s4 =	sadd.s32 s4, s6;
	[dreg:$0x0] =	wrdreg $0x0  }
0xae: {  	s6 =	sshll.u32 s28, $0x1;
	[dreg:$0x2] =	wrdreg s4  }
0xaf: {  	[dreg:$0x3] =	wrdreg s6  }
0xb0: {  	[dreg:$0x4] =	wrdreg $0xC0  }
0xb1: {  	_ =	task [dreg:s8], $0x5FFFF  }
0xb2: {  	[dreg:$0x1] =	wrdreg $0xFFFFFFFF  }
0xb3: {  	[dreg:$0x0] =	wrdreg $0x60  }
0xb4: {  	[dreg:$0x2] =	wrdreg s15  }
0xb5: {  	[dreg:$0x3] =	wrdreg s24  }
0xb6: {  	[dreg:$0x4] =	wrdreg s16  }
0xb7: {  	[dreg:$0x5] =	wrdreg $0x9  }
0xb8: {  	_ =	task.clear_ibuf [dreg:s8], $0x6FFFF;
	_ =	strace $0x90000049  }
0xb9: {  	s29 =	simm.s32 $0x9;
	_ =	strace $0x8000004B  }
0xba: {  	_ =	swait.ge [sflag:s29], $0x1  }
0xbb: {  	[sflag:s29] =	ssyncadd.s32 $0xFFFFFFFF  }
0xbc: {  	_ =	strace $0x9000004B  }
0xbd: {  	_ =	sfence  }
0xbe: {  	s30 =	sld [smem:$0x0];
	_ =	sdelay $0x2  }
0xbf: {  	s31 =	sshll.u32 s1, $0xD;
	s1 =	sshrl.u32 s1, $0x2  }
0xc0: {  	s3 =	sand.u32 $0x4000, s31;
	s1 =	sadd.s32 s1, s30  }
0xc1: {  	s0 =	sor.u32 s3, s0;
	s1 =	sshll.u32 s1, $0x11  }
0xc2: {  	s0 =	sor.u32 s1, s0  }
0xc3: {  	s0 =	sadd.s32 $0x8F2B, s0  }
0xc4: {  	[sflag:s0] =	ssyncadd.remote.s32 $0x1  }
0xc5: {  	_ =	sfence.sel $0xFFFF  }
0xc6: {  	[dreg:$0x0] =	wrdreg $0xFFFFFFFF;
	(pc) =	sbr.abs _section_cstart, $3  }
0xc7: {  	[dreg:$0x1] =	wrdreg $0xFFFFFFFF  }
0xc8: {  	_ =	task.clear_ibuf [dreg:s8], $0x2FFFF;
	_ =	strace $0x9FFFFFFF  }
0xc9: {  	(tm) =	ssettm $0x7FFFFFFF  }
tec
execute0_lowered:
.L_overlay_start_1:
0x0: {  	(tag) =	ssettag $0x1  }
0x1: {  	s1 =	rddreg [dreg:$0x0]  }
0x2: {  	s0 =	rddreg [dreg:$0x1]  }
0x3: {  	s2 =	rddreg [dreg:$0x2]  }
0x4: {  	s4 =	srdreg.scid;
	s20 =	stileid.u32;
	s3 =	simm.s32 $0x0  }
0x5: {  	s30 =	simm.s32 $0x1;
	s31 =	simm.s32 $0x1400;
	s4 =	sand.u32 $0x1, s4  }
0x6: {  	s5 =	sshll.u32 s20, $0x1;
	[smem:$0x7FF] =	sst s3;
	s7 =	sadd.s32 $0x1400, s0  }
0x7: {  	s8 =	sadd.s32 $0x201400, s0;
	s10 =	sadd.s32 $0x300, s1;
	s11 =	sadd.s32 $0x400, s1  }
0x8: {  	s12 =	sadd.s32 $0x500, s1;
	s13 =	sadd.s32 $0x600, s1;
	s14 =	sadd.s32 $0x700, s1  }
0x9: {  	s15 =	sadd.s32 $0x800, s1;
	s16 =	sadd.s32 $0x900, s1;
	s17 =	sadd.s32 $0xA00, s1  }
0xa: {  	s18 =	sadd.s32 $0xB00, s1;
	s23 =	sshll.u32 s20, $0x14;
	s20 =	sadd.s32 $0xD00, s1  }
0xb: {  	s28 =	sadd.s32 $0xF00, s1;
	_ =	strace $0x8000004A;
	[dreg:$0x4] =	wrdreg s7  }
0xc: {  	s5 =	sor.u32 s4, s5;
	s19 =	ssub.s32 $0x2, s4;
	[dreg:$0x5] =	wrdreg s8  }
0xd: {  	s8 =	sadd.s32 $0x100, s1;
	s4 =	sshll.u32 s4, $0x13;
	s6 =	sshll.u32 s5, $0x7  }
0xe: {  	s21 =	sshll.u32 s5, $0x4;
	s9 =	sshrl.u32 s19, $0x1;
	s5 =	sshll.u32 s5, $0x13  }
0xf: {  	s6 =	sadd.s32 s6, s0;
	s0 =	sadd.s32 s21, s0;
	s7 =	ssub.s32 s19, s9  }
0x10: {  	s9 =	sadd.s32 $0x200, s1;
	s19 =	sadd.s32 $0xC00, s1;
	s5 =	sadd.s32 s5, s2  }
0x11: {  	s2 =	sadd.s32 s23, s2;
	s21 =	simm.s32 $0x5;
	s22 =	sadd.s32 $0x201600, s6  }
0x12: {  	s23 =	simm.s32 $0x7;
	s6 =	sadd.s32 $0x202600, s6;
	[dreg:$0x6] =	wrdreg s22  }
0x13: {  	s0 =	sadd.s32 $0x203600, s0;
	s24 =	sadd.s32 s4, s2;
	[dreg:$0x7] =	wrdreg s6  }
0x14: {  	s25 =	sadd.s32 $0x7E000, s5;
	s26 =	sadd.s32 $0x7F000, s5;
	[dreg:$0x8] =	wrdreg s0  }
.Ltmp0:
0x15: {  	s29 =	smax.u32 s7, $0x1;
	[dreg:$0x9] =	wrdreg s25;
	(pc) =	sbr.rel .LBB2_1-.Ltmp0, $4  }
0x16: {  	s2 =	simm.s32 $0x4;
	s5 =	simm.s32 $0x0;
	[dreg:$0xa] =	wrdreg s26  }
0x17: {  	v0 =	vlaneseq.u32;
	[dreg:$0xb] =	wrdreg s29;
	s0 =	sadd.s32 $0x2000, s24;
	s26 =	sadd.s32 $0xE00, s1  }
0x18: {  	v1 =	vshrl.u32 v0, $0x3;
	s6 =	simm.s32 $0x9400;
	s24 =	simm.s32 $0x11400;
	s25 =	simm.s32 $0x3  }
0x19: {  	vm0 =	vmmov $0xffff;
	v0 =	vand.u32 $0x7, v0;
	v1 =	vmul.u32 $0x8, v1;
	s22 =	simm.s32 $0x6;
	[dreg:$0xc] =	wrdreg s0;
	s0 =	simm.s32 $0x2  }
.LBB2_8:
0x1a: {  	_ =	swait.ge [sflag:s0], $0x8000  }
0x1b: {  	[sflag:s0] =	ssyncset.done $0x0  }
0x1c: {  	s4 =	rddreg [dreg:$0x9];
	[sflag:s0] =	ssyncadd.s32 $0xFFFF8000  }
0x1d: {  	[hbm4b:s4+s3] =	stream.linear.scatter [tilespmem:s31], [sflag:$0x5], $0x8000, $0x38;
	[tilespmem:$0x19480] =	vst v63  }
0x1e: {  	_ =	swait.ge [sflag:s25], $0x8000  }
0x1f: {  	[sflag:s25] =	ssyncset.done $0x0  }
0x20: {  	s7 =	rddreg [dreg:$0xa];
	[sflag:s25] =	ssyncadd.s32 $0xFFFF8000  }
0x21: {  	[hbm4b:s7+s3] =	stream.linear.scatter [tilespmem:s6], [sflag:$0x6], $0x8000, $0x38;
	[tilespmem:$0x19480] =	vst v63  }
0x22: {  	_ =	swait.ge [sflag:s21], $0x8000  }
0x23: {  	[sflag:s21] =	ssyncset.done $0x0  }
0x24: {  	[sflag:s21] =	ssyncadd.s32 $0xFFFF8000  }
0x25: {  	_ =	swait.ge [sflag:s22], $0x8000  }
0x26: {  	[sflag:s22] =	ssyncset.done $0x0  }
0x27: {  	[sflag:s22] =	ssyncadd.s32 $0xFFFF8000  }
0x28: {  	_ =	swait.ge [sflag:s23], $0x8000  }
0x29: {  	s5 =	rddreg [dreg:$0xd]  }
0x2a: {  	s29 =	rddreg [dreg:$0xb];
	s5 =	sadd.s32 $0x1, s5  }
0x2b: {  	p0 =	sne.s32 s5, s29  }
.Ltmp1:
0x2c: {  	_ = 	snop;
	(pc) =	sbr.rel @!p0 .LBB2_9-.Ltmp1, $3  }
0x2d: {  	_ =	sdelay $0x1  }
0x2e: {  	[sflag:s23] =	ssyncset.done $0x0  }
0x2f: {  	[sflag:s23] =	ssyncadd.s32 $0xFFFF8000  }
.LBB2_1:
0x30: {  	[dreg:$0xd] =	wrdreg s5  }
0x31: {  	s4 =	rddreg [dreg:$0x6]  }
0x32: {  	[tilespmem:s3], [sflag:$0x1] =	stream.linear.gather [hbm4b:s4+s3], $0x400, $0x38;
	[tilespmem:$0x19480] =	vst v63  }
0x33: {  	s7 =	rddreg [dreg:$0x7];
	s29 =	simm.s32 $0x400  }
0x34: {  	[tilespmem:s29], [sflag:$0x1] =	stream.linear.gather [hbm4b:s7+s3], $0x400, $0x38;
	[tilespmem:$0x19480] =	vst v63  }
0x35: {  	_ =	swait.ge [sflag:s30], $0x400  }
0x36: {  	[sflag:s30] =	ssyncset.done $0x0  }
0x37: {  	[sflag:s30] =	ssyncadd.s32 $0xFFFFFC00  }
0x38: {  	_ =	swait.ge [sflag:s30], $0x400  }
0x39: {  	[sflag:s30] =	ssyncset.done $0x0  }
0x3a: {  	[sflag:s30] =	ssyncadd.s32 $0xFFFFFC00  }
0x3b: {  	v2 =	vld.msk [tilespmem:$0x0], $0xff;
	_ =	sdelay $0x4  }
0x3c: {  	v3 =	vshll.u32 v2, $0x5  }
0x3d: {  	v2 =	vand.u32 $0x7, v2;
	v3 =	vand.u32 $0xFFFFFF00, v3  }
0x3e: {  	v2 =	vor.u32 v2, v3  }
0x3f: {  	v2 =	vperm.xlane v2, v0;
	_ =	sdelay $0x1  }
0x40: {  	v2 =	vadd.s32 v1, v2;
	_ =	sdelay $0x4  }
0x41: {  	[tilespmem:s31], [sflag:$0x2] =	stream.indirect_vreg.gather [hbm4b:s1+s3], $0x80, v2, vm0, $0xb8;
	[tilespmem:$0x19480] =	vst v63  }
0x42: {  	s5 =	simm.s32 $0x1C00  }
0x43: {  	[tilespmem:s5], [sflag:$0x2] =	stream.indirect_vreg.gather [hbm4b:s8+s3], $0x80, v2, vm0, $0xb8;
	[tilespmem:$0x19480] =	vst v63  }
0x44: {  	s7 =	simm.s32 $0x2400  }
0x45: {  	[tilespmem:s7], [sflag:$0x2] =	stream.indirect_vreg.gather [hbm4b:s9+s3], $0x80, v2, vm0, $0xb8;
	[tilespmem:$0x19480] =	vst v63  }
0x46: {  	s29 =	simm.s32 $0x2C00  }
0x47: {  	[tilespmem:s29], [sflag:$0x2] =	stream.indirect_vreg.gather [hbm4b:s10+s3], $0x80, v2, vm0, $0xb8;
	[tilespmem:$0x19480] =	vst v63  }
0x48: {  	s5 =	simm.s32 $0x3400  }
0x49: {  	[tilespmem:s5], [sflag:$0x2] =	stream.indirect_vreg.gather [hbm4b:s11+s3], $0x80, v2, vm0, $0xb8;
	[tilespmem:$0x19480] =	vst v63  }
0x4a: {  	s7 =	simm.s32 $0x3C00  }
0x4b: {  	[tilespmem:s7], [sflag:$0x2] =	stream.indirect_vreg.gather [hbm4b:s12+s3], $0x80, v2, vm0, $0xb8;
	[tilespmem:$0x19480] =	vst v63  }
0x4c: {  	s29 =	simm.s32 $0x4400  }
0x4d: {  	[tilespmem:s29], [sflag:$0x2] =	stream.indirect_vreg.gather [hbm4b:s13+s3], $0x80, v2, vm0, $0xb8;
	[tilespmem:$0x19480] =	vst v63  }
0x4e: {  	s5 =	simm.s32 $0x4C00  }
0x4f: {  	[tilespmem:s5], [sflag:$0x2] =	stream.indirect_vreg.gather [hbm4b:s14+s3], $0x80, v2, vm0, $0xb8;
	[tilespmem:$0x19480] =	vst v63  }
0x50: {  	s7 =	simm.s32 $0x5400  }
0x51: {  	[tilespmem:s7], [sflag:$0x2] =	stream.indirect_vreg.gather [hbm4b:s15+s3], $0x80, v2, vm0, $0xb8;
	[tilespmem:$0x19480] =	vst v63  }
0x52: {  	s29 =	simm.s32 $0x5C00  }
0x53: {  	[tilespmem:s29], [sflag:$0x2] =	stream.indirect_vreg.gather [hbm4b:s16+s3], $0x80, v2, vm0, $0xb8;
	[tilespmem:$0x19480] =	vst v63  }
0x54: {  	s5 =	simm.s32 $0x6400  }
0x55: {  	[tilespmem:s5], [sflag:$0x2] =	stream.indirect_vreg.gather [hbm4b:s17+s3], $0x80, v2, vm0, $0xb8;
	[tilespmem:$0x19480] =	vst v63  }
0x56: {  	s7 =	simm.s32 $0x6C00  }
0x57: {  	[tilespmem:s7], [sflag:$0x2] =	stream.indirect_vreg.gather [hbm4b:s18+s3], $0x80, v2, vm0, $0xb8;
	[tilespmem:$0x19480] =	vst v63  }
0x58: {  	s29 =	simm.s32 $0x7400  }
0x59: {  	[tilespmem:s29], [sflag:$0x2] =	stream.indirect_vreg.gather [hbm4b:s19+s3], $0x80, v2, vm0, $0xb8;
	[tilespmem:$0x19480] =	vst v63  }
0x5a: {  	s5 =	simm.s32 $0x7C00  }
0x5b: {  	[tilespmem:s5], [sflag:$0x2] =	stream.indirect_vreg.gather [hbm4b:s20+s3], $0x80, v2, vm0, $0xb8;
	[tilespmem:$0x19480] =	vst v63  }
0x5c: {  	s7 =	simm.s32 $0x8400  }
0x5d: {  	[tilespmem:s7], [sflag:$0x2] =	stream.indirect_vreg.gather [hbm4b:s26+s3], $0x80, v2, vm0, $0xb8;
	[tilespmem:$0x19480] =	vst v63  }
0x5e: {  	s29 =	simm.s32 $0x8C00  }
0x5f: {  	[tilespmem:s29], [sflag:$0x2] =	stream.indirect_vreg.gather [hbm4b:s28+s3], $0x80, v2, vm0, $0xb8;
	[tilespmem:$0x19480] =	vst v63  }
0x60: {  	v2 =	vld.msk [tilespmem:$0x8], $0xff;
	_ =	sdelay $0x4  }
0x61: {  	v3 =	vshll.u32 v2, $0x5  }
0x62: {  	v2 =	vand.u32 $0x7, v2;
	v3 =	vand.u32 $0xFFFFFF00, v3  }
0x63: {  	v2 =	vor.u32 v2, v3  }
0x64: {  	v2 =	vperm.xlane v2, v0;
	_ =	sdelay $0x1  }
0x65: {  	v2 =	vadd.s32 v1, v2;
	_ =	sdelay $0x4  }
0x66: {  	[tilespmem:s6], [sflag:$0x3] =	stream.indirect_vreg.gather [hbm4b:s1+s3], $0x80, v2, vm0, $0xb8;
	[tilespmem:$0x19480] =	vst v63  }
0x67: {  	s5 =	simm.s32 $0x9C00  }
0x68: {  	[tilespmem:s5], [sflag:$0x3] =	stream.indirect_vreg.gather [hbm4b:s8+s3], $0x80, v2, vm0, $0xb8;
	[tilespmem:$0x19480] =	vst v63  }
0x69: {  	s7 =	simm.s32 $0xA400  }
0x6a: {  	[tilespmem:s7], [sflag:$0x3] =	stream.indirect_vreg.gather [hbm4b:s9+s3], $0x80, v2, vm0, $0xb8;
	[tilespmem:$0x19480] =	vst v63  }
0x6b: {  	s29 =	simm.s32 $0xAC00  }
0x6c: {  	[tilespmem:s29], [sflag:$0x3] =	stream.indirect_vreg.gather [hbm4b:s10+s3], $0x80, v2, vm0, $0xb8;
	[tilespmem:$0x19480] =	vst v63  }
0x6d: {  	s5 =	simm.s32 $0xB400  }
0x6e: {  	[tilespmem:s5], [sflag:$0x3] =	stream.indirect_vreg.gather [hbm4b:s11+s3], $0x80, v2, vm0, $0xb8;
	[tilespmem:$0x19480] =	vst v63  }
0x6f: {  	s7 =	simm.s32 $0xBC00  }
0x70: {  	[tilespmem:s7], [sflag:$0x3] =	stream.indirect_vreg.gather [hbm4b:s12+s3], $0x80, v2, vm0, $0xb8;
	[tilespmem:$0x19480] =	vst v63  }
0x71: {  	s29 =	simm.s32 $0xC400  }
0x72: {  	[tilespmem:s29], [sflag:$0x3] =	stream.indirect_vreg.gather [hbm4b:s13+s3], $0x80, v2, vm0, $0xb8;
	[tilespmem:$0x19480] =	vst v63  }
0x73: {  	s5 =	simm.s32 $0xCC00  }
0x74: {  	[tilespmem:s5], [sflag:$0x3] =	stream.indirect_vreg.gather [hbm4b:s14+s3], $0x80, v2, vm0, $0xb8;
	[tilespmem:$0x19480] =	vst v63  }
0x75: {  	s7 =	simm.s32 $0xD400  }
0x76: {  	[tilespmem:s7], [sflag:$0x3] =	stream.indirect_vreg.gather [hbm4b:s15+s3], $0x80, v2, vm0, $0xb8;
	[tilespmem:$0x19480] =	vst v63  }
0x77: {  	s29 =	simm.s32 $0xDC00  }
0x78: {  	[tilespmem:s29], [sflag:$0x3] =	stream.indirect_vreg.gather [hbm4b:s16+s3], $0x80, v2, vm0, $0xb8;
	[tilespmem:$0x19480] =	vst v63  }
0x79: {  	s5 =	simm.s32 $0xE400  }
0x7a: {  	[tilespmem:s5], [sflag:$0x3] =	stream.indirect_vreg.gather [hbm4b:s17+s3], $0x80, v2, vm0, $0xb8;
	[tilespmem:$0x19480] =	vst v63  }
0x7b: {  	s7 =	simm.s32 $0xEC00  }
0x7c: {  	[tilespmem:s7], [sflag:$0x3] =	stream.indirect_vreg.gather [hbm4b:s18+s3], $0x80, v2, vm0, $0xb8;
	[tilespmem:$0x19480] =	vst v63  }
0x7d: {  	s29 =	simm.s32 $0xF400  }
0x7e: {  	[tilespmem:s29], [sflag:$0x3] =	stream.indirect_vreg.gather [hbm4b:s19+s3], $0x80, v2, vm0, $0xb8;
	[tilespmem:$0x19480] =	vst v63  }
0x7f: {  	s5 =	simm.s32 $0xFC00  }
0x80: {  	[tilespmem:s5], [sflag:$0x3] =	stream.indirect_vreg.gather [hbm4b:s20+s3], $0x80, v2, vm0, $0xb8;
	[tilespmem:$0x19480] =	vst v63  }
0x81: {  	s7 =	simm.s32 $0x10400  }
0x82: {  	[tilespmem:s7], [sflag:$0x3] =	stream.indirect_vreg.gather [hbm4b:s26+s3], $0x80, v2, vm0, $0xb8;
	[tilespmem:$0x19480] =	vst v63  }
0x83: {  	s29 =	simm.s32 $0x10C00  }
0x84: {  	[tilespmem:s29], [sflag:$0x3] =	stream.indirect_vreg.gather [hbm4b:s28+s3], $0x80, v2, vm0, $0xb8;
	[tilespmem:$0x19480] =	vst v63  }
0x85: {  	v2 =	vld.msk [tilespmem:$0x10], $0xff;
	_ =	sdelay $0x4  }
0x86: {  	v3 =	vshll.u32 v2, $0x5  }
0x87: {  	v2 =	vand.u32 $0x7, v2;
	v3 =	vand.u32 $0xFFFFFF00, v3  }
0x88: {  	v2 =	vor.u32 v2, v3  }
0x89: {  	v2 =	vperm.xlane v2, v0;
	_ =	sdelay $0x1  }
0x8a: {  	v2 =	vadd.s32 v1, v2;
	_ =	sdelay $0x4  }
0x8b: {  	[tilespmem:s24], [sflag:$0x4] =	stream.indirect_vreg.gather [hbm4b:s1+s3], $0x80, v2, vm0, $0xb8;
	[tilespmem:$0x19480] =	vst v63  }
0x8c: {  	s5 =	simm.s32 $0x11C00  }
0x8d: {  	[tilespmem:s5], [sflag:$0x4] =	stream.indirect_vreg.gather [hbm4b:s8+s3], $0x80, v2, vm0, $0xb8;
	[tilespmem:$0x19480] =	vst v63  }
0x8e: {  	s7 =	simm.s32 $0x12400  }
0x8f: {  	[tilespmem:s7], [sflag:$0x4] =	stream.indirect_vreg.gather [hbm4b:s9+s3], $0x80, v2, vm0, $0xb8;
	[tilespmem:$0x19480] =	vst v63  }
0x90: {  	s29 =	simm.s32 $0x12C00  }
0x91: {  	[tilespmem:s29], [sflag:$0x4] =	stream.indirect_vreg.gather [hbm4b:s10+s3], $0x80, v2, vm0, $0xb8;
	[tilespmem:$0x19480] =	vst v63  }
0x92: {  	s5 =	simm.s32 $0x13400  }
0x93: {  	[tilespmem:s5], [sflag:$0x4] =	stream.indirect_vreg.gather [hbm4b:s11+s3], $0x80, v2, vm0, $0xb8;
	[tilespmem:$0x19480] =	vst v63  }
0x94: {  	s7 =	simm.s32 $0x13C00  }
0x95: {  	[tilespmem:s7], [sflag:$0x4] =	stream.indirect_vreg.gather [hbm4b:s12+s3], $0x80, v2, vm0, $0xb8;
	[tilespmem:$0x19480] =	vst v63  }
0x96: {  	s29 =	simm.s32 $0x14400  }
0x97: {  	[tilespmem:s29], [sflag:$0x4] =	stream.indirect_vreg.gather [hbm4b:s13+s3], $0x80, v2, vm0, $0xb8;
	[tilespmem:$0x19480] =	vst v63  }
0x98: {  	s5 =	simm.s32 $0x14C00  }
0x99: {  	[tilespmem:s5], [sflag:$0x4] =	stream.indirect_vreg.gather [hbm4b:s14+s3], $0x80, v2, vm0, $0xb8;
	[tilespmem:$0x19480] =	vst v63  }
0x9a: {  	s7 =	simm.s32 $0x15400  }
0x9b: {  	[tilespmem:s7], [sflag:$0x4] =	stream.indirect_vreg.gather [hbm4b:s15+s3], $0x80, v2, vm0, $0xb8;
	[tilespmem:$0x19480] =	vst v63  }
0x9c: {  	s29 =	simm.s32 $0x15C00  }
0x9d: {  	[tilespmem:s29], [sflag:$0x4] =	stream.indirect_vreg.gather [hbm4b:s16+s3], $0x80, v2, vm0, $0xb8;
	[tilespmem:$0x19480] =	vst v63  }
0x9e: {  	s5 =	simm.s32 $0x16400  }
0x9f: {  	[tilespmem:s5], [sflag:$0x4] =	stream.indirect_vreg.gather [hbm4b:s17+s3], $0x80, v2, vm0, $0xb8;
	[tilespmem:$0x19480] =	vst v63  }
0xa0: {  	s7 =	simm.s32 $0x16C00  }
0xa1: {  	[tilespmem:s7], [sflag:$0x4] =	stream.indirect_vreg.gather [hbm4b:s18+s3], $0x80, v2, vm0, $0xb8;
	[tilespmem:$0x19480] =	vst v63  }
0xa2: {  	s29 =	simm.s32 $0x17400  }
0xa3: {  	[tilespmem:s29], [sflag:$0x4] =	stream.indirect_vreg.gather [hbm4b:s19+s3], $0x80, v2, vm0, $0xb8;
	[tilespmem:$0x19480] =	vst v63  }
0xa4: {  	s5 =	simm.s32 $0x17C00  }
0xa5: {  	[tilespmem:s5], [sflag:$0x4] =	stream.indirect_vreg.gather [hbm4b:s20+s3], $0x80, v2, vm0, $0xb8;
	[tilespmem:$0x19480] =	vst v63  }
0xa6: {  	s7 =	simm.s32 $0x18400  }
0xa7: {  	[tilespmem:s7], [sflag:$0x4] =	stream.indirect_vreg.gather [hbm4b:s26+s3], $0x80, v2, vm0, $0xb8;
	[tilespmem:$0x19480] =	vst v63  }
0xa8: {  	s4 =	simm.s32 $0x0;
	s29 =	simm.s32 $0x18C00  }
0xa9: {  	[tilespmem:s29], [sflag:$0x4] =	stream.indirect_vreg.gather [hbm4b:s28+s3], $0x80, v2, vm0, $0xb8;
	[tilespmem:$0x19480] =	vst v63  }
0xaa: {  	v2 =	vld [tilespmem:s4+$0x0]  }
0xab: {  	s5 =	simm.s32 $0x40;
	v3 =	vld [tilespmem:s4+$0x400]  }
.LBB2_2:
0xac: {  	p0 =	sne.s32 s5, $0xFC0  }
.Ltmp2:
0xad: {  	_ = 	snop;
	(pc) =	sbr.rel @p0 .LBB2_2-.Ltmp2, $4  }
0xae: {  	_ = 	snop  }
0xaf: {  	s29 =	sshra.s32 s5, $0x2;
	s5 =	sadd.s32 $0x40, s5;
	v4 =	vshll.u32 v2, $0xC  }
0xb0: {  	v2 =	vld [tilespmem:s29+$0x0];
	v4 =	vadd.s32 v3, v4  }
0xb1: {  	v3 =	vld [tilespmem:s29+$0x400];
	[tilespmem:s4+$0x800] =	vst v4;
	s4 =	smov.u32 s29  }
0xb2: {  	_ =	sdelay $0x2  }
0xb3: {  	v2 =	vshll.u32 v2, $0xC  }
0xb4: {  	s7 =	simm.s32 $0x80;
	v2 =	vadd.s32 v3, v2  }
0xb5: {  	s5 =	simm.s32 $0x800;
	s29 =	simm.s32 $0xC00;
	[tilespmem:s4+$0x800] =	vst v2;
	s4 =	rddreg [dreg:$0x4]  }
0xb6: {  	[tilespmem:s29], [sflag:$0x1] =	stream.indirect.gather [hbm4b:s4+s7], $0x1, s5, s7, $0xb8;
	[tilespmem:$0x19480] =	vst v63  }
0xb7: {  	s5 =	simm.s32 $0x880;
	s29 =	simm.s32 $0xC80  }
0xb8: {  	[tilespmem:s29], [sflag:$0x1] =	stream.indirect.gather [hbm4b:s4+s7], $0x1, s5, s7, $0xb8;
	[tilespmem:$0x19480] =	vst v63  }
0xb9: {  	s5 =	simm.s32 $0x900;
	s29 =	simm.s32 $0xD00  }
0xba: {  	[tilespmem:s29], [sflag:$0x1] =	stream.indirect.gather [hbm4b:s4+s7], $0x1, s5, s7, $0xb8;
	[tilespmem:$0x19480] =	vst v63  }
0xbb: {  	s5 =	simm.s32 $0x980;
	s29 =	simm.s32 $0xD80  }
0xbc: {  	[tilespmem:s29], [sflag:$0x1] =	stream.indirect.gather [hbm4b:s4+s7], $0x1, s5, s7, $0xb8;
	[tilespmem:$0x19480] =	vst v63  }
0xbd: {  	s5 =	simm.s32 $0xA00;
	s29 =	simm.s32 $0xE00  }
0xbe: {  	[tilespmem:s29], [sflag:$0x1] =	stream.indirect.gather [hbm4b:s4+s7], $0x1, s5, s7, $0xb8;
	[tilespmem:$0x19480] =	vst v63  }
0xbf: {  	s5 =	simm.s32 $0xA80;
	s29 =	simm.s32 $0xE80  }
0xc0: {  	[tilespmem:s29], [sflag:$0x1] =	stream.indirect.gather [hbm4b:s4+s7], $0x1, s5, s7, $0xb8;
	[tilespmem:$0x19480] =	vst v63  }
0xc1: {  	s5 =	simm.s32 $0xB00;
	s29 =	simm.s32 $0xF00  }
0xc2: {  	[tilespmem:s29], [sflag:$0x1] =	stream.indirect.gather [hbm4b:s4+s7], $0x1, s5, s7, $0xb8;
	[tilespmem:$0x19480] =	vst v63  }
0xc3: {  	s5 =	simm.s32 $0xB80;
	s29 =	simm.s32 $0xF80  }
0xc4: {  	[tilespmem:s29], [sflag:$0x1] =	stream.indirect.gather [hbm4b:s4+s7], $0x1, s5, s7, $0xb8;
	[tilespmem:$0x19480] =	vst v63  }
0xc5: {  	s4 =	simm.s32 $0x0;
	s5 =	rddreg [dreg:$0x5];
	s29 =	simm.s32 $0x1000  }
0xc6: {  	[tilespmem:s29], [sflag:$0x1] =	stream.indirect.gather [hbm4b:s5+s7], $0x1, s4, s7, $0xb8;
	[tilespmem:$0x19480] =	vst v63  }
0xc7: {  	s29 =	simm.s32 $0x1080  }
0xc8: {  	[tilespmem:s29], [sflag:$0x1] =	stream.indirect.gather [hbm4b:s5+s7], $0x1, s7, s7, $0xb8;
	[tilespmem:$0x19480] =	vst v63  }
0xc9: {  	s4 =	simm.s32 $0x100;
	s29 =	simm.s32 $0x1100  }
0xca: {  	[tilespmem:s29], [sflag:$0x1] =	stream.indirect.gather [hbm4b:s5+s7], $0x1, s4, s7, $0xb8;
	[tilespmem:$0x19480] =	vst v63  }
0xcb: {  	s4 =	simm.s32 $0x180;
	s29 =	simm.s32 $0x1180  }
0xcc: {  	[tilespmem:s29], [sflag:$0x1] =	stream.indirect.gather [hbm4b:s5+s7], $0x1, s4, s7, $0xb8;
	[tilespmem:$0x19480] =	vst v63  }
0xcd: {  	s4 =	simm.s32 $0x200;
	s29 =	simm.s32 $0x1200  }
0xce: {  	[tilespmem:s29], [sflag:$0x1] =	stream.indirect.gather [hbm4b:s5+s7], $0x1, s4, s7, $0xb8;
	[tilespmem:$0x19480] =	vst v63  }
0xcf: {  	s4 =	simm.s32 $0x280;
	s29 =	simm.s32 $0x1280  }
0xd0: {  	[tilespmem:s29], [sflag:$0x1] =	stream.indirect.gather [hbm4b:s5+s7], $0x1, s4, s7, $0xb8;
	[tilespmem:$0x19480] =	vst v63  }
0xd1: {  	s4 =	simm.s32 $0x300;
	s29 =	simm.s32 $0x1300  }
0xd2: {  	[tilespmem:s29], [sflag:$0x1] =	stream.indirect.gather [hbm4b:s5+s7], $0x1, s4, s7, $0xb8;
	[tilespmem:$0x19480] =	vst v63  }
0xd3: {  	s4 =	simm.s32 $0x380;
	s29 =	simm.s32 $0x1380  }
0xd4: {  	[tilespmem:s29], [sflag:$0x1] =	stream.indirect.gather [hbm4b:s5+s7], $0x1, s4, s7, $0xb8;
	[tilespmem:$0x19480] =	vst v63  }
0xd5: {  	_ =	swait.ge [sflag:s30], $0x80  }
0xd6: {  	[sflag:s30] =	ssyncset.done $0x0  }
0xd7: {  	[sflag:s30] =	ssyncadd.s32 $0xFFFFFF80  }
0xd8: {  	_ =	swait.ge [sflag:s30], $0x80  }
0xd9: {  	[sflag:s30] =	ssyncset.done $0x0  }
0xda: {  	[sflag:s30] =	ssyncadd.s32 $0xFFFFFF80  }
0xdb: {  	_ =	swait.ge [sflag:s30], $0x80  }
0xdc: {  	[sflag:s30] =	ssyncset.done $0x0  }
0xdd: {  	[sflag:s30] =	ssyncadd.s32 $0xFFFFFF80  }
0xde: {  	_ =	swait.ge [sflag:s30], $0x80  }
0xdf: {  	[sflag:s30] =	ssyncset.done $0x0  }
0xe0: {  	[sflag:s30] =	ssyncadd.s32 $0xFFFFFF80  }
0xe1: {  	_ =	swait.ge [sflag:s30], $0x80  }
0xe2: {  	[sflag:s30] =	ssyncset.done $0x0  }
0xe3: {  	[sflag:s30] =	ssyncadd.s32 $0xFFFFFF80  }
0xe4: {  	_ =	swait.ge [sflag:s30], $0x80  }
0xe5: {  	[sflag:s30] =	ssyncset.done $0x0  }
0xe6: {  	[sflag:s30] =	ssyncadd.s32 $0xFFFFFF80  }
0xe7: {  	_ =	swait.ge [sflag:s30], $0x80  }
0xe8: {  	[sflag:s30] =	ssyncset.done $0x0  }
0xe9: {  	[sflag:s30] =	ssyncadd.s32 $0xFFFFFF80  }
0xea: {  	_ =	swait.ge [sflag:s30], $0x80  }
0xeb: {  	[sflag:s30] =	ssyncset.done $0x0  }
0xec: {  	[sflag:s30] =	ssyncadd.s32 $0xFFFFFF80  }
0xed: {  	_ =	swait.ge [sflag:s30], $0x80  }
0xee: {  	[sflag:s30] =	ssyncset.done $0x0  }
0xef: {  	[sflag:s30] =	ssyncadd.s32 $0xFFFFFF80  }
0xf0: {  	_ =	swait.ge [sflag:s30], $0x80  }
0xf1: {  	[sflag:s30] =	ssyncset.done $0x0  }
0xf2: {  	[sflag:s30] =	ssyncadd.s32 $0xFFFFFF80  }
0xf3: {  	_ =	swait.ge [sflag:s30], $0x80  }
0xf4: {  	[sflag:s30] =	ssyncset.done $0x0  }
0xf5: {  	[sflag:s30] =	ssyncadd.s32 $0xFFFFFF80  }
0xf6: {  	_ =	swait.ge [sflag:s30], $0x80  }
0xf7: {  	[sflag:s30] =	ssyncset.done $0x0  }
0xf8: {  	[sflag:s30] =	ssyncadd.s32 $0xFFFFFF80  }
0xf9: {  	_ =	swait.ge [sflag:s30], $0x80  }
0xfa: {  	[sflag:s30] =	ssyncset.done $0x0  }
0xfb: {  	[sflag:s30] =	ssyncadd.s32 $0xFFFFFF80  }
0xfc: {  	_ =	swait.ge [sflag:s30], $0x80  }
0xfd: {  	[sflag:s30] =	ssyncset.done $0x0  }
0xfe: {  	[sflag:s30] =	ssyncadd.s32 $0xFFFFFF80  }
0xff: {  	_ =	swait.ge [sflag:s30], $0x80  }
0x100: {  	[sflag:s30] =	ssyncset.done $0x0  }
0x101: {  	[sflag:s30] =	ssyncadd.s32 $0xFFFFFF80  }
0x102: {  	_ =	swait.ge [sflag:s30], $0x80  }
0x103: {  	[sflag:s30] =	ssyncset.done $0x0  }
0x104: {  	s29 =	simm.s32 $0x0;
	[sflag:s30] =	ssyncadd.s32 $0xFFFFFF80  }
0x105: {  	v3 =	vld [tilespmem:s29+$0x1000]  }
0x106: {  	v2 =	vimm.f32 $0.0e+00;
	s4 =	simm.s32 $0x40;
	v4 =	vld [tilespmem:s29+$0xC00]  }
.LBB2_4:
0x107: {  	_ = 	snop  }
0x108: {  	p0 =	sne.s32 s4, $0xFC0  }
.Ltmp3:
0x109: {  	_ = 	snop;
	(pc) =	sbr.rel @p0 .LBB2_4-.Ltmp3, $4  }
0x10a: {  	_ = 	snop  }
0x10b: {  	s5 =	sshra.s32 s4, $0x2;
	v5 =	vsub.f32 v3, v4  }
0x10c: {  	v3 =	vld [tilespmem:s5+$0x1000]  }
0x10d: {  	s4 =	sadd.s32 $0x40, s4;
	v4 =	vld [tilespmem:s5+$0xC00];
	v2 =	vadd.f32 v5, v2  }
0x10e: {  	_ =	sdelay $0x3  }
0x10f: {  	v3 =	vsub.f32 v3, v4;
	_ =	sdelay $0x1  }
0x110: {  	v2 =	vadd.f32 v3, v2;
	_ =	sdelay $0x1  }
0x111: {  	s5 =	simm.s32 $0x0;
	s4 =	rddreg [dreg:$0x8];
	s7 =	simm.s32 $0x19400;
	[tilespmem:$0x19400] =	vst v2  }
0x112: {  	[hbm4b:s4+s5] =	stream.linear.scatter [tilespmem:s7], [sflag:$0x8], $0x80, $0x38;
	[tilespmem:$0x19480] =	vst v63  }
0x113: {  	s7 =	simm.s32 $0x8  }
0x114: {  	_ =	swait.ge [sflag:s7], $0x80  }
0x115: {  	[sflag:s7] =	ssyncset.done $0x0  }
0x116: {  	s29 =	rddreg [dreg:$0xc];
	[sflag:s7] =	ssyncadd.s32 $0xFFFFFF80  }
.LBB2_6:
0x117: {  	_ =	swait.ge [sflag:s0], $0x8000  }
0x118: {  	[sflag:s0] =	ssyncset.done $0x0  }
0x119: {  	s4 =	sadd.s32 $0xFFFFE000, s29;
	[sflag:s0] =	ssyncadd.s32 $0xFFFF8000  }
0x11a: {  	[hbm4b:s4+s3] =	stream.linear.scatter [tilespmem:s31], [sflag:$0x5], $0x8000, $0x38;
	[tilespmem:$0x19480] =	vst v63  }
0x11b: {  	_ =	swait.ge [sflag:s21], $0x8000  }
0x11c: {  	[sflag:s21] =	ssyncset.done $0x0  }
0x11d: {  	s4 =	sshra.s32 s5, $0x2;
	[sflag:s21] =	ssyncadd.s32 $0xFFFF8000  }
0x11e: {  	v2 =	vld.msk [tilespmem:s4+$0x18], $0xff;
	_ =	sdelay $0x4  }
0x11f: {  	v3 =	vshll.u32 v2, $0x5  }
0x120: {  	v2 =	vand.u32 $0x7, v2;
	v3 =	vand.u32 $0xFFFFFF00, v3  }
0x121: {  	v2 =	vor.u32 v2, v3  }
0x122: {  	v2 =	vperm.xlane v2, v0;
	_ =	sdelay $0x1  }
0x123: {  	v2 =	vadd.s32 v1, v2;
	_ =	sdelay $0x4  }
0x124: {  	[tilespmem:s31], [sflag:$0x2] =	stream.indirect_vreg.gather [hbm4b:s1+s3], $0x80, v2, vm0, $0xb8;
	[tilespmem:$0x19480] =	vst v63  }
0x125: {  	s7 =	simm.s32 $0x1C00  }
0x126: {  	[tilespmem:s7], [sflag:$0x2] =	stream.indirect_vreg.gather [hbm4b:s8+s3], $0x80, v2, vm0, $0xb8;
	[tilespmem:$0x19480] =	vst v63  }
0x127: {  	s7 =	simm.s32 $0x2400  }
0x128: {  	[tilespmem:s7], [sflag:$0x2] =	stream.indirect_vreg.gather [hbm4b:s9+s3], $0x80, v2, vm0, $0xb8;
	[tilespmem:$0x19480] =	vst v63  }
0x129: {  	s7 =	simm.s32 $0x2C00  }
0x12a: {  	[tilespmem:s7], [sflag:$0x2] =	stream.indirect_vreg.gather [hbm4b:s10+s3], $0x80, v2, vm0, $0xb8;
	[tilespmem:$0x19480] =	vst v63  }
0x12b: {  	s7 =	simm.s32 $0x3400  }
0x12c: {  	[tilespmem:s7], [sflag:$0x2] =	stream.indirect_vreg.gather [hbm4b:s11+s3], $0x80, v2, vm0, $0xb8;
	[tilespmem:$0x19480] =	vst v63  }
0x12d: {  	s7 =	simm.s32 $0x3C00  }
0x12e: {  	[tilespmem:s7], [sflag:$0x2] =	stream.indirect_vreg.gather [hbm4b:s12+s3], $0x80, v2, vm0, $0xb8;
	[tilespmem:$0x19480] =	vst v63  }
0x12f: {  	s7 =	simm.s32 $0x4400  }
0x130: {  	[tilespmem:s7], [sflag:$0x2] =	stream.indirect_vreg.gather [hbm4b:s13+s3], $0x80, v2, vm0, $0xb8;
	[tilespmem:$0x19480] =	vst v63  }
0x131: {  	s7 =	simm.s32 $0x4C00  }
0x132: {  	[tilespmem:s7], [sflag:$0x2] =	stream.indirect_vreg.gather [hbm4b:s14+s3], $0x80, v2, vm0, $0xb8;
	[tilespmem:$0x19480] =	vst v63  }
0x133: {  	s7 =	simm.s32 $0x5400  }
0x134: {  	[tilespmem:s7], [sflag:$0x2] =	stream.indirect_vreg.gather [hbm4b:s15+s3], $0x80, v2, vm0, $0xb8;
	[tilespmem:$0x19480] =	vst v63  }
0x135: {  	s7 =	simm.s32 $0x5C00  }
0x136: {  	[tilespmem:s7], [sflag:$0x2] =	stream.indirect_vreg.gather [hbm4b:s16+s3], $0x80, v2, vm0, $0xb8;
	[tilespmem:$0x19480] =	vst v63  }
0x137: {  	s7 =	simm.s32 $0x6400  }
0x138: {  	[tilespmem:s7], [sflag:$0x2] =	stream.indirect_vreg.gather [hbm4b:s17+s3], $0x80, v2, vm0, $0xb8;
	[tilespmem:$0x19480] =	vst v63  }
0x139: {  	s7 =	simm.s32 $0x6C00  }
0x13a: {  	[tilespmem:s7], [sflag:$0x2] =	stream.indirect_vreg.gather [hbm4b:s18+s3], $0x80, v2, vm0, $0xb8;
	[tilespmem:$0x19480] =	vst v63  }
0x13b: {  	s7 =	simm.s32 $0x7400  }
0x13c: {  	[tilespmem:s7], [sflag:$0x2] =	stream.indirect_vreg.gather [hbm4b:s19+s3], $0x80, v2, vm0, $0xb8;
	[tilespmem:$0x19480] =	vst v63  }
0x13d: {  	s7 =	simm.s32 $0x7C00  }
0x13e: {  	[tilespmem:s7], [sflag:$0x2] =	stream.indirect_vreg.gather [hbm4b:s20+s3], $0x80, v2, vm0, $0xb8;
	[tilespmem:$0x19480] =	vst v63  }
0x13f: {  	s7 =	simm.s32 $0x8400  }
0x140: {  	[tilespmem:s7], [sflag:$0x2] =	stream.indirect_vreg.gather [hbm4b:s26+s3], $0x80, v2, vm0, $0xb8;
	[tilespmem:$0x19480] =	vst v63  }
0x141: {  	s7 =	simm.s32 $0x8C00  }
0x142: {  	[tilespmem:s7], [sflag:$0x2] =	stream.indirect_vreg.gather [hbm4b:s28+s3], $0x80, v2, vm0, $0xb8;
	[tilespmem:$0x19480] =	vst v63  }
0x143: {  	_ =	swait.ge [sflag:s25], $0x8000  }
0x144: {  	[sflag:s25] =	ssyncset.done $0x0  }
0x145: {  	s7 =	sadd.s32 $0xFFFFF000, s29;
	[sflag:s25] =	ssyncadd.s32 $0xFFFF8000  }
0x146: {  	[hbm4b:s7+s3] =	stream.linear.scatter [tilespmem:s6], [sflag:$0x6], $0x8000, $0x38;
	[tilespmem:$0x19480] =	vst v63  }
0x147: {  	_ =	swait.ge [sflag:s22], $0x8000  }
0x148: {  	[sflag:s22] =	ssyncset.done $0x0  }
0x149: {  	[sflag:s22] =	ssyncadd.s32 $0xFFFF8000  }
0x14a: {  	v2 =	vld.msk [tilespmem:s4+$0x20], $0xff;
	_ =	sdelay $0x4  }
0x14b: {  	v3 =	vshll.u32 v2, $0x5  }
0x14c: {  	v2 =	vand.u32 $0x7, v2;
	v3 =	vand.u32 $0xFFFFFF00, v3  }
0x14d: {  	v2 =	vor.u32 v2, v3  }
0x14e: {  	v2 =	vperm.xlane v2, v0;
	_ =	sdelay $0x1  }
0x14f: {  	v2 =	vadd.s32 v1, v2;
	_ =	sdelay $0x4  }
0x150: {  	[tilespmem:s6], [sflag:$0x3] =	stream.indirect_vreg.gather [hbm4b:s1+s3], $0x80, v2, vm0, $0xb8;
	[tilespmem:$0x19480] =	vst v63  }
0x151: {  	s7 =	simm.s32 $0x9C00  }
0x152: {  	[tilespmem:s7], [sflag:$0x3] =	stream.indirect_vreg.gather [hbm4b:s8+s3], $0x80, v2, vm0, $0xb8;
	[tilespmem:$0x19480] =	vst v63  }
0x153: {  	s7 =	simm.s32 $0xA400  }
0x154: {  	[tilespmem:s7], [sflag:$0x3] =	stream.indirect_vreg.gather [hbm4b:s9+s3], $0x80, v2, vm0, $0xb8;
	[tilespmem:$0x19480] =	vst v63  }
0x155: {  	s7 =	simm.s32 $0xAC00  }
0x156: {  	[tilespmem:s7], [sflag:$0x3] =	stream.indirect_vreg.gather [hbm4b:s10+s3], $0x80, v2, vm0, $0xb8;
	[tilespmem:$0x19480] =	vst v63  }
0x157: {  	s7 =	simm.s32 $0xB400  }
0x158: {  	[tilespmem:s7], [sflag:$0x3] =	stream.indirect_vreg.gather [hbm4b:s11+s3], $0x80, v2, vm0, $0xb8;
	[tilespmem:$0x19480] =	vst v63  }
0x159: {  	s7 =	simm.s32 $0xBC00  }
0x15a: {  	[tilespmem:s7], [sflag:$0x3] =	stream.indirect_vreg.gather [hbm4b:s12+s3], $0x80, v2, vm0, $0xb8;
	[tilespmem:$0x19480] =	vst v63  }
0x15b: {  	s7 =	simm.s32 $0xC400  }
0x15c: {  	[tilespmem:s7], [sflag:$0x3] =	stream.indirect_vreg.gather [hbm4b:s13+s3], $0x80, v2, vm0, $0xb8;
	[tilespmem:$0x19480] =	vst v63  }
0x15d: {  	s7 =	simm.s32 $0xCC00  }
0x15e: {  	[tilespmem:s7], [sflag:$0x3] =	stream.indirect_vreg.gather [hbm4b:s14+s3], $0x80, v2, vm0, $0xb8;
	[tilespmem:$0x19480] =	vst v63  }
0x15f: {  	s7 =	simm.s32 $0xD400  }
0x160: {  	[tilespmem:s7], [sflag:$0x3] =	stream.indirect_vreg.gather [hbm4b:s15+s3], $0x80, v2, vm0, $0xb8;
	[tilespmem:$0x19480] =	vst v63  }
0x161: {  	s7 =	simm.s32 $0xDC00  }
0x162: {  	[tilespmem:s7], [sflag:$0x3] =	stream.indirect_vreg.gather [hbm4b:s16+s3], $0x80, v2, vm0, $0xb8;
	[tilespmem:$0x19480] =	vst v63  }
0x163: {  	s7 =	simm.s32 $0xE400  }
0x164: {  	[tilespmem:s7], [sflag:$0x3] =	stream.indirect_vreg.gather [hbm4b:s17+s3], $0x80, v2, vm0, $0xb8;
	[tilespmem:$0x19480] =	vst v63  }
0x165: {  	s7 =	simm.s32 $0xEC00  }
0x166: {  	[tilespmem:s7], [sflag:$0x3] =	stream.indirect_vreg.gather [hbm4b:s18+s3], $0x80, v2, vm0, $0xb8;
	[tilespmem:$0x19480] =	vst v63  }
0x167: {  	s7 =	simm.s32 $0xF400  }
0x168: {  	[tilespmem:s7], [sflag:$0x3] =	stream.indirect_vreg.gather [hbm4b:s19+s3], $0x80, v2, vm0, $0xb8;
	[tilespmem:$0x19480] =	vst v63  }
0x169: {  	s7 =	simm.s32 $0xFC00  }
0x16a: {  	[tilespmem:s7], [sflag:$0x3] =	stream.indirect_vreg.gather [hbm4b:s20+s3], $0x80, v2, vm0, $0xb8;
	[tilespmem:$0x19480] =	vst v63  }
0x16b: {  	s7 =	simm.s32 $0x10400  }
0x16c: {  	[tilespmem:s7], [sflag:$0x3] =	stream.indirect_vreg.gather [hbm4b:s26+s3], $0x80, v2, vm0, $0xb8;
	[tilespmem:$0x19480] =	vst v63  }
0x16d: {  	p0 =	seq.s32 s5, $0xF60;
	s7 =	simm.s32 $0x10C00  }
0x16e: {  	[tilespmem:s7], [sflag:$0x3] =	stream.indirect_vreg.gather [hbm4b:s28+s3], $0x80, v2, vm0, $0xb8;
	[tilespmem:$0x19480] =	vst v63  }
.Ltmp4:
0x16f: {  	_ = 	snop;
	(pc) =	sbr.rel @p0 .LBB2_8-.Ltmp4, $4  }
0x170: {  	_ =	swait.ge [sflag:s2], $0x8000  }
0x171: {  	[sflag:s2] =	ssyncset.done $0x0  }
0x172: {  	[sflag:s2] =	ssyncadd.s32 $0xFFFF8000  }
0x173: {  	[hbm4b:s29+s3] =	stream.linear.scatter [tilespmem:s24], [sflag:$0x7], $0x8000, $0x38;
	[tilespmem:$0x19480] =	vst v63  }
0x174: {  	_ =	swait.ge [sflag:s23], $0x8000  }
0x175: {  	[sflag:s23] =	ssyncset.done $0x0  }
0x176: {  	[sflag:s23] =	ssyncadd.s32 $0xFFFF8000  }
0x177: {  	v2 =	vld.msk [tilespmem:s4+$0x28], $0xff;
	_ =	sdelay $0x4  }
0x178: {  	v3 =	vshll.u32 v2, $0x5  }
0x179: {  	v2 =	vand.u32 $0x7, v2;
	v3 =	vand.u32 $0xFFFFFF00, v3  }
0x17a: {  	v2 =	vor.u32 v2, v3  }
0x17b: {  	v2 =	vperm.xlane v2, v0;
	_ =	sdelay $0x1  }
0x17c: {  	v2 =	vadd.s32 v1, v2;
	_ =	sdelay $0x4  }
0x17d: {  	[tilespmem:s24], [sflag:$0x4] =	stream.indirect_vreg.gather [hbm4b:s1+s3], $0x80, v2, vm0, $0xb8;
	[tilespmem:$0x19480] =	vst v63  }
0x17e: {  	s7 =	simm.s32 $0x11C00  }
0x17f: {  	[tilespmem:s7], [sflag:$0x4] =	stream.indirect_vreg.gather [hbm4b:s8+s3], $0x80, v2, vm0, $0xb8;
	[tilespmem:$0x19480] =	vst v63  }
0x180: {  	s7 =	simm.s32 $0x12400  }
0x181: {  	[tilespmem:s7], [sflag:$0x4] =	stream.indirect_vreg.gather [hbm4b:s9+s3], $0x80, v2, vm0, $0xb8;
	[tilespmem:$0x19480] =	vst v63  }
0x182: {  	s7 =	simm.s32 $0x12C00  }
0x183: {  	[tilespmem:s7], [sflag:$0x4] =	stream.indirect_vreg.gather [hbm4b:s10+s3], $0x80, v2, vm0, $0xb8;
	[tilespmem:$0x19480] =	vst v63  }
0x184: {  	s7 =	simm.s32 $0x13400  }
0x185: {  	[tilespmem:s7], [sflag:$0x4] =	stream.indirect_vreg.gather [hbm4b:s11+s3], $0x80, v2, vm0, $0xb8;
	[tilespmem:$0x19480] =	vst v63  }
0x186: {  	s7 =	simm.s32 $0x13C00  }
0x187: {  	[tilespmem:s7], [sflag:$0x4] =	stream.indirect_vreg.gather [hbm4b:s12+s3], $0x80, v2, vm0, $0xb8;
	[tilespmem:$0x19480] =	vst v63  }
0x188: {  	s7 =	simm.s32 $0x14400  }
0x189: {  	[tilespmem:s7], [sflag:$0x4] =	stream.indirect_vreg.gather [hbm4b:s13+s3], $0x80, v2, vm0, $0xb8;
	[tilespmem:$0x19480] =	vst v63  }
0x18a: {  	s7 =	simm.s32 $0x14C00  }
0x18b: {  	[tilespmem:s7], [sflag:$0x4] =	stream.indirect_vreg.gather [hbm4b:s14+s3], $0x80, v2, vm0, $0xb8;
	[tilespmem:$0x19480] =	vst v63  }
0x18c: {  	s7 =	simm.s32 $0x15400  }
0x18d: {  	[tilespmem:s7], [sflag:$0x4] =	stream.indirect_vreg.gather [hbm4b:s15+s3], $0x80, v2, vm0, $0xb8;
	[tilespmem:$0x19480] =	vst v63  }
0x18e: {  	s7 =	simm.s32 $0x15C00  }
0x18f: {  	[tilespmem:s7], [sflag:$0x4] =	stream.indirect_vreg.gather [hbm4b:s16+s3], $0x80, v2, vm0, $0xb8;
	[tilespmem:$0x19480] =	vst v63  }
0x190: {  	s7 =	simm.s32 $0x16400  }
0x191: {  	[tilespmem:s7], [sflag:$0x4] =	stream.indirect_vreg.gather [hbm4b:s17+s3], $0x80, v2, vm0, $0xb8;
	[tilespmem:$0x19480] =	vst v63  }
0x192: {  	s7 =	simm.s32 $0x16C00  }
0x193: {  	[tilespmem:s7], [sflag:$0x4] =	stream.indirect_vreg.gather [hbm4b:s18+s3], $0x80, v2, vm0, $0xb8;
	[tilespmem:$0x19480] =	vst v63  }
0x194: {  	s7 =	simm.s32 $0x17400  }
0x195: {  	[tilespmem:s7], [sflag:$0x4] =	stream.indirect_vreg.gather [hbm4b:s19+s3], $0x80, v2, vm0, $0xb8;
	[tilespmem:$0x19480] =	vst v63  }
0x196: {  	s7 =	simm.s32 $0x17C00  }
0x197: {  	[tilespmem:s7], [sflag:$0x4] =	stream.indirect_vreg.gather [hbm4b:s20+s3], $0x80, v2, vm0, $0xb8;
	[tilespmem:$0x19480] =	vst v63  }
.Ltmp5:
0x198: {  	_ = 	snop;
	(pc) =	sbr.rel .LBB2_6-.Ltmp5, $4  }
0x199: {  	s7 =	simm.s32 $0x18400  }
0x19a: {  	[tilespmem:s7], [sflag:$0x4] =	stream.indirect_vreg.gather [hbm4b:s26+s3], $0x80, v2, vm0, $0xb8;
	[tilespmem:$0x19480] =	vst v63  }
0x19b: {  	s29 =	sadd.s32 $0x3000, s29;
	s5 =	sadd.s32 $0x60, s5;
	s7 =	simm.s32 $0x18C00  }
0x19c: {  	[tilespmem:s7], [sflag:$0x4] =	stream.indirect_vreg.gather [hbm4b:s28+s3], $0x80, v2, vm0, $0xb8;
	[tilespmem:$0x19480] =	vst v63  }
.LBB2_9:
0x19d: {  	_ =	sfence.sel $0x180000  }
0x19e: {  	[bflag:$0x0] =	sbarrier.arrive $0xFFFF  }
0x19f: {  	_ =	strace $0x9000004A  }
0x1a0: {  	s0 =	stileid.u32;
	[bflag:$0x2] =	sbarrier.arrive $0xFFFF  }
0x1a1: {  	p0 =	sne.s32 s0, $0x0;
	s0 =	rddreg [dreg:$0x3]  }
0x1a2: {  	s0 =	sadd.s32 @!p0 $0x100000, s0  }
0x1a3: {  	[sflag:s0] =	ssyncadd.tile.s32 @!p0 $0x1;
	_ =	shalt  }
.Lfunc_end2:
_tile_overlayer_lowered:
.L_overlay_start_2:
0x1a4: {  	(tag) =	ssettag $0x2  }
0x1a5: {  	s0 =	rddreg [dreg:$0x0];
	s2 =	stileid.u32  }
0x1a6: {  	s1 =	rddreg [dreg:$0x1];
	p0 =	sne.s32 s2, $0x0  }
0x1a7: {  	s3 =	rddreg [dreg:$0x2];
	[bflag:$0x3] =	sbarrier.arrive $0xFFFF;
	s2 =	simm.s32 @!p0 $0x1C08  }
0x1a8: {  	[timem:s3], [sflag:s2] =	dma.local @!p0 [hbm:s0], s1  }
0x1a9: {  	s0 =	simm.s32 @!p0 $0x8  }
0x1aa: {  	_ =	swait.ge @!p0 [sflag:s0], s1  }
0x1ab: {  	s1 =	ssub.s32 @!p0 $0x0, s1;
	[sflag:s0] =	ssyncset.done @!p0 $0x0  }
0x1ac: {  	[sflag:s0] =	ssyncadd.s32 @!p0 s1  }
0x1ad: {  	[bflag:$0x3] =	sbarrier.arrive $0xFFFF  }
0x1ae: {  	_ =	shalt  }

// kernel: sparse-core-data-format-call.cloned.1.call-start
scs
called_computation_lowered:
.L_overlay_start_0:
0x0: {  	s2 =	sld [smem:$0x3FD9]  }
0x1: {  	s3 =	sld [smem:$0x3FFE];
	_ =	sdelay $0x1  }
0x2: {  	s1 =	srdreg.scid  }
0x3: {  	s0 =	sand.u32 $0x1, s1  }
0x4: {  	s18 =	sshll.u32 s0, $0xA;
	s2 =	sadd.s32 s3, s2  }
0x5: {  	s2 =	sadd.s32 s2, s18  }
0x6: {  	[smem:$0x3FC5] =	sst s2  }
0x7: {  	_ = 	snop  }
0x8: {  	s2 =	sld [smem:$0x3FC7];
	(tm) =	ssettm $0x1  }
0x9: {  	s19 =	sld [smem:$0x3FFB];
	_ =	sdelay $0x3  }
0xa: {  	_ =	strace s19  }
0xb: {  	s3 =	sld [smem:$0x3FFC];
	_ =	sdelay $0x3  }
0xc: {  	_ =	strace s3  }
0xd: {  	s3 =	sld [smem:$0x3FFD];
	_ =	sdelay $0x3  }
0xe: {  	_ =	strace s3  }
0xf: {  	_ =	strace $0x8FFFFFFF  }
0x10: {  	s20 =	sld [smem:$0x3FDB];
	_ =	sdelay $0x1  }
0x11: {  	s4 =	simm.s32 $_scs_section_size  }
0x12: {  	s5 =	simm.s32 $_size__tile_overlayer_lowered;
	s6 =	simm.s32 $_tile_overlayer_lowered  }
0x13: {  	s23 =	simm.s32 $0x1BFF;
	s22 =	sshll.u32 s6, $0x1;
	s3 =	sadd.s32 s4, s20  }
0x14: {  	s7 =	simm.s32 $0x0;
	s21 =	sshll.u32 s5, $0x1;
	s5 =	sadd.s32 s22, s3  }
0x15: {  	[timem:s7], [sflag:s23] =	dma.local [hbm:s5], s21  }
0x16: {  	_ =	swait.ge [sflag:s23], s21  }
0x17: {  	s4 =	ssub.s32 $0x0, s21;
	[sflag:s23] =	ssyncset.done $0x0  }
0x18: {  	[sflag:s23] =	ssyncadd.s32 s4;
	_ =	sdelay $0x1  }
0x19: {  	s24 =	simm.s32 $0x1B8B  }
0x1a: {  	_ =	swait.ge [sflag:s24], $0x1  }
0x1b: {  	[sflag:s24] =	ssyncset.done $0x0  }
0x1c: {  	s26 =	simm.s32 $0x1B8E;
	s25 =	sld [smem:$0x3FFE];
	[sflag:s24] =	ssyncadd.s32 $0xFFFFFFFF  }
0x1d: {  	s27 =	simm.s32 $execute0_lowered;
	[smem:$0x3FD2] =	sst s26  }
0x1e: {  	s5 =	sshll.u32 s27, $0x1;
	_ =	strace $0x80000046;
	[dreg:$0x1] =	wrdreg $0xFFFFFFFF  }
0x1f: {  	s28 =	simm.s32 $_size_execute0_lowered;
	s3 =	sadd.s32 s3, s5;
	[dreg:$0x0] =	wrdreg $0x0  }
0x20: {  	s5 =	sshll.u32 s28, $0x1;
	[dreg:$0x2] =	wrdreg s3  }
0x21: {  	[dreg:$0x3] =	wrdreg s5  }
0x22: {  	[dreg:$0x4] =	wrdreg $0xC0  }
0x23: {  	_ =	task [dreg:s7], $0x5FFFF  }
0x24: {  	[dreg:$0x1] =	wrdreg $0xFFFFFFFF  }
0x25: {  	[dreg:$0x0] =	wrdreg $0x60  }
0x26: {  	[dreg:$0x2] =	wrdreg s2  }
0x27: {  	[dreg:$0x3] =	wrdreg s25  }
0x28: {  	[dreg:$0x4] =	wrdreg $0x9  }
0x29: {  	_ =	task.clear_ibuf [dreg:s7], $0x5FFFF;
	_ =	strace $0x90000046  }
0x2a: {  	s29 =	simm.s32 $0x9;
	_ =	strace $0x80000048  }
0x2b: {  	_ =	swait.ge [sflag:s29], $0x1  }
0x2c: {  	[sflag:s29] =	ssyncadd.s32 $0xFFFFFFFF  }
0x2d: {  	_ =	strace $0x90000048  }
0x2e: {  	_ =	sfence  }
0x2f: {  	s30 =	sld [smem:$0x0];
	_ =	sdelay $0x2  }
0x30: {  	s31 =	sshll.u32 s1, $0xD;
	s1 =	sshrl.u32 s1, $0x2  }
0x31: {  	s3 =	sand.u32 $0x4000, s31;
	s1 =	sadd.s32 s1, s30  }
0x32: {  	s0 =	sor.u32 s3, s0;
	s1 =	sshll.u32 s1, $0x11  }
0x33: {  	s0 =	sor.u32 s1, s0  }
0x34: {  	s0 =	sadd.s32 $0x8F2B, s0  }
0x35: {  	[sflag:s0] =	ssyncadd.remote.s32 $0x1  }
0x36: {  	_ =	sfence.sel $0xFFFF  }
0x37: {  	[dreg:$0x0] =	wrdreg $0xFFFFFFFF;
	(pc) =	sbr.abs _section_cstart, $3  }
0x38: {  	[dreg:$0x1] =	wrdreg $0xFFFFFFFF  }
0x39: {  	_ =	task.clear_ibuf [dreg:s7], $0x2FFFF;
	_ =	strace $0x9FFFFFFF  }
0x3a: {  	(tm) =	ssettm $0x7FFFFFFF  }
0x3b: {  	_ =	shalt  }
tec
execute0_lowered:
.L_overlay_start_1:
0x0: {  	(tag) =	ssettag $0x1  }
0x1: {  	s2 =	rddreg [dreg:$0x0]  }
0x2: {  	s1 =	rddreg [dreg:$0x1]  }
0x3: {  	s0 =	rddreg [dreg:$0x2];
	_ =	strace $0x80000047;
	s4 =	srdreg.scid  }
0x4: {  	s6 =	simm.s32 $0x2;
	s11 =	simm.s32 $0x0;
	p0 =	por $0x0, $0x0  }
.Ltmp0:
0x5: {  	s7 =	simm.s32 $0x1000;
	s12 =	simm.s32 $0x0;
	(pc) =	sbr.rel .LBB1_1-.Ltmp0, $4  }
0x6: {  	s9 =	simm.s32 $0x0;
	s3 =	sadd.s32 $0x1400, s1;
	s5 =	sshll.u32 s4, $0x4  }
0x7: {  	s1 =	stileid.u32;
	s4 =	simm.s32 $0x1;
	s5 =	sand.u32 $0x10, s5  }
0x8: {  	s8 =	simm.s32 $0x0;
	[sflag:s4] =	ssyncpa.u1 $0x0;
	s5 =	sor.u32 s1, s5  }
0x9: {  	[sflag:s6] =	ssyncpa.u1 $0x0;
	s6 =	simm.s32 $0x800;
	s10 =	smov.u32 s5  }
.LBB1_7:
0xa: {  	s13 =	sadd.s32 $0x10, s9  }
0xb: {  	s11 =	sadd.s32 $0x20, s10;
	s15 =	smov.u32 s10;
	p2 =	sgt.s32 s13, $0x1F  }
0xc: {  	p1 =	slt.u32 s8, $0x2;
	s15 =	smov.u32 @p2 s11  }
0xd: {  	s8 =	sadd.s32 $0x1, s8;
	s13 =	simm.s32 @p2 $0x0;
	p2 =	sgt.s32 s15, $0x1FF  }
0xe: {  	s15 =	smov.u32 @p2 s5;
	p2 =	sne.s32 s8, $0x22  }
.Ltmp1:
0xf: {  	_ = 	snop;
	(pc) =	sbr.rel @!p2 .LBB1_8-.Ltmp1, $4  }
0x10: {  	s14 =	simm.s32 @!p1 $0x2  }
0x11: {  	s12 =	smov.u32 s10;
	_ =	swait.ge @!p1 [sflag:s14], $0x4000  }
0x12: {  	p0 =	por !p0, !p0;
	s11 =	smov.u32 s9;
	[sflag:s14] =	ssyncset.done @!p1 $0x0  }
0x13: {  	s9 =	smov.u32 s13;
	[sflag:s14] =	ssyncadd.s32 @!p1 $0xFFFFC000;
	s10 =	smov.u32 s15  }
.LBB1_1:
0x14: {  	p1 =	sgt.u32 s8, $0x1F  }
0x15: {  	s13 =	sxor.u32 @!p1 $0xFFFFFFFF, s8;
	s14 =	sshll.u32 @!p1 s10, $0xC  }
0x16: {  	s15 =	sshll.u32 @!p1 s9, $0x7;
	s13 =	sshll.u32 @!p1 s13, $0xE;
	s14 =	sadd.s32 @!p1 s2, s14  }
0x17: {  	s13 =	sand.u32 @!p1 $0x4000, s13;
	s14 =	sadd.s32 @!p1 s15, s14;
	s15 =	simm.s32 @!p1 $0x0  }
0x18: {  	[tilespmem:s13], [sflag:$0x1] =	stream.linear.gather @!p1 [hbm4b:s14+s15], $0x4000, $0x38;
	[tilespmem:$0x10000] =	vst v63  }
0x19: {  	p1 =	seq.s32 s8, $0x0  }
0x1a: {  	p2 =	seq.s32 @!p1 s8, $0x21  }
0x1b: {  	p1 =	por p1, p2  }
.Ltmp2:
0x1c: {  	_ = 	snop;
	(pc) =	sbr.rel @p1 .LBB1_7-.Ltmp2, $1  }
0x1d: {  	_ =	sdelay $0x3  }
0x1e: {  	s13 =	simm.s32 $0x1;
	_ =	swait.ge [sflag:s4], $0x4000;
	s16 =	sshll.u32 s8, $0xE  }
0x1f: {  	s13 =	simm.s32 @!p0 $0x0;
	[sflag:s4] =	ssyncset.done $0x0;
	s31 =	sand.u32 $0x4000, s16  }
0x20: {  	s16 =	simm.s32 $0x0;
	s14 =	sshll.u32 s13, $0xE;
	[sflag:s4] =	ssyncadd.s32 $0xFFFFC000  }
0x21: {  	s13 =	sor.u32 $0x8040, s14;
	s15 =	sor.u32 $0x40, s14;
	s14 =	sor.u32 $0x8000, s31  }
.LBB1_3:
0x22: {  	v0 =	vmov s15;
	_ =	sdelay $0x3  }
0x23: {  	s18 =	simm.s32 $0x0  }
0x24: {  	v6 =	vld.idx.msk [tilespmem:v0+s18+$0x30 ss:$0x1], $0xffff  }
0x25: {  	v7 =	vld.idx.msk [tilespmem:v0+s18+$0xFFFFFFC0 ss:$0x1], $0xffff  }
0x26: {  	v5 =	vld.idx.msk [tilespmem:v0+s18+$0xFFFFFFD0 ss:$0x1], $0xffff  }
0x27: {  	v4 =	vld.idx.msk [tilespmem:v0+s18+$0xFFFFFFE0 ss:$0x1], $0xffff  }
0x28: {  	v3 =	vld.idx.msk [tilespmem:v0+s18+$0xFFFFFFF0 ss:$0x1], $0xffff  }
0x29: {  	v1 =	vld.idx.msk [tilespmem:v0+s18+$0x0 ss:$0x1], $0xffff  }
0x2a: {  	v2 =	vld.idx.msk [tilespmem:v0+s18+$0x10 ss:$0x1], $0xffff;
	[tilespmem:s13+$0x30] =	vst v6  }
0x2b: {  	s17 =	simm.s32 $0x80;
	s19 =	simm.s32 $0x400;
	[tilespmem:s13+$0xFFFFFFC0] =	vst v7;
	v6 =	vld.idx.msk [tilespmem:v0+s18+$0x20 ss:$0x1], $0xffff;
	s18 =	smov.u32 s13  }
.LBB1_4:
0x2c: {  	p1 =	sne.s32 s19, $0xE00;
	v7 =	vld.idx.msk [tilespmem:v0+s17+$0x30 ss:$0x1], $0xffff;
	[tilespmem:s18+$0xFFFFFFD0] =	vst v5  }
0x2d: {  	v8 =	vld.idx.msk [tilespmem:v0+s17+$0xFFFFFFC0 ss:$0x1], $0xffff;
	[tilespmem:s18+$0xFFFFFFE0] =	vst v4  }
0x2e: {  	v5 =	vld.idx.msk [tilespmem:v0+s17+$0xFFFFFFD0 ss:$0x1], $0xffff;
	[tilespmem:s18+$0xFFFFFFF0] =	vst v3  }
.Ltmp3:
0x2f: {  	v4 =	vld.idx.msk [tilespmem:v0+s17+$0xFFFFFFE0 ss:$0x1], $0xffff;
	[tilespmem:s18+$0x0] =	vst v1;
	(pc) =	sbr.rel @p1 .LBB1_4-.Ltmp3, $4  }
0x30: {  	v3 =	vld.idx.msk [tilespmem:v0+s17+$0xFFFFFFF0 ss:$0x1], $0xffff;
	[tilespmem:s18+$0x10] =	vst v2  }
0x31: {  	v1 =	vld.idx.msk [tilespmem:v0+s17+$0x0 ss:$0x1], $0xffff;
	[tilespmem:s18+$0x20] =	vst v6;
	s18 =	sadd.s32 $0x800, s18  }
0x32: {  	v2 =	vld.idx.msk [tilespmem:v0+s17+$0x10 ss:$0x1], $0xffff;
	[tilespmem:s18+$0x30] =	vst v7  }
0x33: {  	[tilespmem:s18+$0xFFFFFFC0] =	vst v8;
	v6 =	vld.idx.msk [tilespmem:v0+s17+$0x20 ss:$0x1], $0xffff;
	s17 =	sshra.s32 s19, $0x2;
	s19 =	sadd.s32 $0x200, s19  }
0x34: {  	_ =	sdelay $0x2  }
0x35: {  	[tilespmem:s18+$0xFFFFFFD0] =	vst v5  }
0x36: {  	v56 =	vld.idx.msk [tilespmem:v0+s17+$0x30 ss:$0x1], $0xffff;
	[tilespmem:s18+$0xFFFFFFE0] =	vst v4  }
0x37: {  	v57 =	vld.idx.msk [tilespmem:v0+s17+$0xFFFFFFC0 ss:$0x1], $0xffff;
	[tilespmem:s18+$0xFFFFFFF0] =	vst v3  }
0x38: {  	v58 =	vld.idx.msk [tilespmem:v0+s17+$0xFFFFFFD0 ss:$0x1], $0xffff;
	[tilespmem:s18+$0x0] =	vst v1  }
0x39: {  	v59 =	vld.idx.msk [tilespmem:v0+s17+$0xFFFFFFE0 ss:$0x1], $0xffff;
	[tilespmem:s18+$0x10] =	vst v2  }
0x3a: {  	v60 =	vld.idx.msk [tilespmem:v0+s17+$0xFFFFFFF0 ss:$0x1], $0xffff;
	s31 =	sadd.s32 $0x800, s18;
	[tilespmem:s18+$0x20] =	vst v6  }
0x3b: {  	v61 =	vld.idx.msk [tilespmem:v0+s17+$0x0 ss:$0x1], $0xffff;
	[tilespmem:s31+$0x30] =	vst v56  }
0x3c: {  	v62 =	vld.idx.msk [tilespmem:v0+s17+$0x10 ss:$0x1], $0xffff;
	s16 =	sadd.s32 $0x1, s16;
	[tilespmem:s31+$0xFFFFFFC0] =	vst v57  }
0x3d: {  	v63 =	vld.idx.msk [tilespmem:v0+s17+$0x20 ss:$0x1], $0xffff;
	p1 =	sne.s32 s16, $0x10;
	[tilespmem:s31+$0xFFFFFFD0] =	vst v58  }
.Ltmp4:
0x3e: {  	[tilespmem:s31+$0xFFFFFFE0] =	vst v59;
	(pc) =	sbr.rel @p1 .LBB1_3-.Ltmp4, $4  }
0x3f: {  	[tilespmem:s31+$0xFFFFFFF0] =	vst v60  }
0x40: {  	[tilespmem:s31+$0x0] =	vst v61  }
0x41: {  	[tilespmem:s31+$0x10] =	vst v62  }
0x42: {  	s13 =	sadd.s32 $0x80, s13;
	s15 =	sadd.s32 $0x400, s15;
	[tilespmem:s31+$0x20] =	vst v63  }
.Ltmp5:
0x43: {  	(pc) =	sbr.rel .LBB1_7-.Ltmp5, $4  }
0x44: {  	s12 =	sshll.u32 s12, $0xC;
	s11 =	sshll.u32 s11, $0x4  }
0x45: {  	s11 =	sand.u32 $0x1F0, s11;
	s12 =	sadd.s32 s3, s12  }
0x46: {  	s11 =	sadd.s32 s11, s12  }
0x47: {  	[hbm4b:s11+s6] =	stream.strided.scatter [tilespmem:s14], [sflag:$0x2], $0x4000, s7, s6, $0x38;
	[tilespmem:$0x10000] =	vst v63  }
.LBB1_8:
0x48: {  	_ =	sfence.sel $0x180000  }
0x49: {  	s2 =	simm.s32 $0x1;
	[bflag:$0x0] =	sbarrier.arrive $0xFFFF  }
0x4a: {  	s31 =	simm.s32 $0x2;
	[sflag:s2] =	ssyncpa.u1 $0x1  }
0x4b: {  	[sflag:s31] =	ssyncpa.u1 $0x1  }
0x4c: {  	p0 =	sne.s32 s1, $0x0;
	_ =	strace $0x90000047  }
0x4d: {  	s0 =	sadd.s32 @!p0 $0x100000, s0;
	[bflag:$0x2] =	sbarrier.arrive $0xFFFF  }
0x4e: {  	[sflag:s0] =	ssyncadd.tile.s32 @!p0 $0x1;
	_ =	shalt  }
.Lfunc_end1:
_tile_overlayer_lowered:
.L_overlay_start_2:
0x4f: {  	(tag) =	ssettag $0x2  }
0x50: {  	s0 =	rddreg [dreg:$0x0];
	s2 =	stileid.u32  }
0x51: {  	s1 =	rddreg [dreg:$0x1];
	p0 =	sne.s32 s2, $0x0  }
0x52: {  	s3 =	rddreg [dreg:$0x2];
	[bflag:$0x3] =	sbarrier.arrive $0xFFFF;
	s2 =	simm.s32 @!p0 $0x1C01  }
0x53: {  	[timem:s3], [sflag:s2] =	dma.local @!p0 [hbm:s0], s1  }
0x54: {  	s0 =	simm.s32 @!p0 $0x1  }
0x55: {  	_ =	swait.ge @!p0 [sflag:s0], s1  }
0x56: {  	s1 =	ssub.s32 @!p0 $0x0, s1;
	[sflag:s0] =	ssyncset.done @!p0 $0x0  }
0x57: {  	[sflag:s0] =	ssyncadd.s32 @!p0 s1  }
0x58: {  	[bflag:$0x3] =	sbarrier.arrive $0xFFFF  }
0x59: {  	_ =	shalt  }

</sc_bundles>
